<compile_context>
chip_gen: v7x
topology: tpu7x:2x2x1
jax: 0.10.2.dev20260603
libtpu: 0.0.44.dev20260713+nightly
codegen_flags: <defaults>
</compile_context>

<pallas_src>
import functools

import jax
import jax.numpy as jnp
from jax import lax
from jax.experimental import pallas as pl
from jax.experimental.pallas import tpu as pltpu
from jax.experimental.pallas import tpu_sc as plsc

L = 16
NC, NS = 2, 16
A_IN = 60
A_OUT = 60
K = 6
NB = 4
M_WORDS = A_IN * A_OUT


def _build_mt_sc():
    mesh = plsc.VectorSubcoreMesh(core_axis_name="c", subcore_axis_name="s",
                                  num_cores=NC, num_subcores=NS)

    @functools.partial(
        pl.kernel,
        out_type=jax.ShapeDtypeStruct((M_WORDS,), jnp.float32),
        mesh=mesh,
        scratch_types=[
            pltpu.VMEM((M_WORDS,), jnp.float32),
            pltpu.VMEM((K * NB * L,), jnp.int32),
            pltpu.VMEM((K * NB * L,), jnp.float32),
        ],
        compiler_params=pltpu.CompilerParams(needs_layout_passes=False),
    )
    def k(idxt_hbm, wt_hbm, mt_hbm, m_v, idx_v, w_v):
        wid = lax.axis_index("s") * NC + lax.axis_index("c")

        @pl.when(wid == 0)
        def _():
            pltpu.sync_copy(idxt_hbm, idx_v)
            pltpu.sync_copy(wt_hbm, w_v)
            zero = jnp.zeros((L,), jnp.float32)

            def zero_body(i, _):
                m_v[pl.ds(i * L, L)] = zero
                return ()

            lax.fori_loop(0, M_WORDS // L, zero_body, (), unroll=4)

            lane = lax.iota(jnp.int32, L)
            for b in range(NB):
                ao = lane + b * L
                mask = ao < A_OUT
                for j in range(K):
                    a_j = idx_v[pl.ds((j * NB + b) * L, L)]
                    w_j = w_v[pl.ds((j * NB + b) * L, L)]
                    plsc.store_scatter(m_v, [a_j * A_OUT + ao], w_j,
                                       mask=mask)
            pltpu.sync_copy(m_v, mt_hbm)

    return k


def _matmul_2d(rows, blk):
    def body(x_ref, m_ref, o_ref):
        o_ref[...] = jnp.dot(x_ref[...], m_ref[...],
                             preferred_element_type=jnp.float32)

    return pl.pallas_call(
        body,
        grid=(rows // blk,),
        in_specs=[
            pl.BlockSpec((blk, A_IN), lambda i: (i, 0)),
            pl.BlockSpec((A_IN, A_OUT), lambda i: (0, 0)),
        ],
        out_specs=pl.BlockSpec((blk, A_OUT), lambda i: (i, 0)),
        out_shape=jax.ShapeDtypeStruct((rows, A_OUT), jnp.float32),
    )


@jax.jit
def kernel(xyz, feats, idx, w, anchor_out):
    B, C, N, A = feats.shape
    idx_t = jnp.zeros((K, NB * L), jnp.int32).at[:, :A_OUT].set(
        idx.astype(jnp.int32).T)
    w_t = jnp.zeros((K, NB * L), jnp.float32).at[:, :A_OUT].set(w.T)
    mt = _build_mt_sc()(idx_t.reshape(-1), w_t.reshape(-1))
    rows = B * C * N
    out2 = _matmul_2d(rows, 16384)(feats.reshape(rows, A), mt.reshape(A_IN, A_OUT))
    return (xyz, out2.reshape(B, C, N, A_OUT), anchor_out)

# --- scband reference (transcript-rebuilt; emitter-appended) ---
"""Pipeline reference for scband-anchor-prop-39213051412499 (READ-ONLY COPY).

The authoritative reference and input builder live on the scoring server;
editing this copy changes nothing except your own understanding.
"""

import jax, jax.numpy as jnp
import numpy as np


def get_anchors(n):
    # Fibonacci sphere sampling of n rotation-anchor directions on S^2
    i = np.arange(n, dtype=np.float64)
    phi = (1.0 + 5.0 ** 0.5) / 2.0
    z = 1.0 - 2.0 * (i + 0.5) / n
    r = np.sqrt(np.maximum(0.0, 1.0 - z * z))
    theta = 2.0 * np.pi * i / phi
    pts = np.stack([r * np.cos(theta), r * np.sin(theta), z], axis=-1)
    return pts.astype(np.float32)


def compute_anchor_weights(a_in, a_out, k, sigma):
    # kNN in anchor space + Gaussian kernel weights, row-normalized
    d2 = np.sum((a_out[:, None, :] - a_in[None, :, :]) ** 2, axis=-1)  # [A_out, A_in]
    idx = np.argsort(d2, axis=-1)[:, :k]                               # [A_out, k]
    dk = np.take_along_axis(d2, idx, axis=-1)
    w = np.exp(-dk / (2.0 * sigma * sigma))
    w = w / np.sum(w, axis=-1, keepdims=True)
    return idx.astype(np.int64), w.astype(np.float32)


def setup_inputs(seed: int = 0) -> dict:
    key = jax.random.key(seed)
    k1, k2 = jax.random.split(key)
    B, C, N = 2, 128, 1024
    A_in, A_out, k, sigma = 60, 60, 6, 0.2
    a_in = get_anchors(A_in)
    a_out = get_anchors(A_out)
    idx, w = compute_anchor_weights(a_in, a_out, k, sigma)
    return {
        "xyz": jax.random.normal(k1, (B, 3, N), dtype=jnp.float32),
        "feats": jax.random.normal(k2, (B, C, N, A_in), dtype=jnp.float32),
        "idx": jnp.asarray(idx),
        "w": jnp.asarray(w),
        "anchor_out": jnp.asarray(a_out),
    }


def reference(xyz, feats, idx, w, anchor_out):
    # anchor_prop: gather feats at the k nearest input anchors of each output
    # anchor and take the Gaussian-weighted sum (kNN retrieval + interpolation).
    g = jnp.take(feats, idx, axis=-1)                    # [B, C, N, A_out, k]
    out_feats = jnp.sum(g * w[None, None, None, :, :], axis=-1)  # [B, C, N, A_out]
    # SphericalPointCloud(xyz, feats, anchors) -> plain tuple
    return (xyz, out_feats, anchor_out)

if __name__ == "__main__":
    import jax
    _d = setup_inputs()
    print(jax.jit(kernel)(*tuple(_d.values())))

</pallas_src>

<mosaic_0001>
#map = affine_map<(d0, d1) -> (0)>
module attributes {stable_mosaic.version = 14 : i64} {
  func.func @k(%arg0: i32, %arg1: i32, %arg2: memref<384xi32, #tpu.memory_space<hbm>>, %arg3: memref<384xf32, #tpu.memory_space<hbm>>, %arg4: memref<3600xf32, #tpu.memory_space<hbm>>, %arg5: memref<3600xf32, #tpu.memory_space<vmem>>, %arg6: memref<384xi32, #tpu.memory_space<vmem>>, %arg7: memref<384xf32, #tpu.memory_space<vmem>>) attributes {dimension_semantics = [#tpu.dimension_semantics<core_parallel>, #tpu.dimension_semantics<subcore_parallel>], iteration_bounds = array<i64: 2, 16>, scalar_prefetch = 0 : i64, scratch_operands = 3 : i64, tpu.core_type = #tpu.core_type<sc_vector_subcore>, window_params = [{transform_indices = #map}, {transform_indices = #map}, {transform_indices = #map}]} {
    %mul3A = arith.constant 2 : i32
    %mul3A_0 = arith.muli %arg1, %mul3A : i32
    %add3A = arith.addi %mul3A_0, %arg0 : i32
    %eq3A = arith.constant 0 : i32
    %eq3A_1 = arith.cmpi eq, %add3A, %eq3A : i32
    %convert_element_type3A = arith.extui %eq3A_1 : i1 to i32
    %cond3A = arith.constant 0 : i32
    %cond3A_2 = arith.cmpi ne, %convert_element_type3A, %cond3A : i32
    scf.if %cond3A_2 {
      "tpu.region"() ({
        %run_scoped3A = tpu.sem_alloc : memref<!tpu.dma_semaphore, #tpu.memory_space<semaphore_mem>>
        tpu.enqueue_dma source(%arg2 : memref<384xi32, #tpu.memory_space<hbm>>) target(%arg6 : memref<384xi32, #tpu.memory_space<vmem>>) target_semaphore(%run_scoped3A : memref<!tpu.dma_semaphore, #tpu.memory_space<semaphore_mem>>)
        tpu.wait_dma2 semaphore(%run_scoped3A : memref<!tpu.dma_semaphore, #tpu.memory_space<semaphore_mem>>) src(%arg2 : memref<384xi32, #tpu.memory_space<hbm>>) dst(%arg6 : memref<384xi32, #tpu.memory_space<vmem>>)
        tpu.yield
      }) : () -> ()
      "tpu.region"() ({
        %run_scoped3A = tpu.sem_alloc : memref<!tpu.dma_semaphore, #tpu.memory_space<semaphore_mem>>
        tpu.enqueue_dma source(%arg3 : memref<384xf32, #tpu.memory_space<hbm>>) target(%arg7 : memref<384xf32, #tpu.memory_space<vmem>>) target_semaphore(%run_scoped3A : memref<!tpu.dma_semaphore, #tpu.memory_space<semaphore_mem>>)
        tpu.wait_dma2 semaphore(%run_scoped3A : memref<!tpu.dma_semaphore, #tpu.memory_space<semaphore_mem>>) src(%arg3 : memref<384xf32, #tpu.memory_space<hbm>>) dst(%arg7 : memref<384xf32, #tpu.memory_space<vmem>>)
        tpu.yield
      }) : () -> ()
      %broadcast_in_dim3A = arith.constant 0.000000e+00 : f32
      %broadcast_in_dim3A_3 = vector.broadcast %broadcast_in_dim3A : f32 to vector<16xf32>
      %scan3A = arith.constant 0 : i32
      %scan3A_4 = arith.constant 224 : i32
      %scan3A_5 = arith.addi %scan3A, %scan3A_4 : i32
      %scan3A_6 = arith.constant 4 : i32
      scf.for %scan3A_227 = %scan3A to %scan3A_5 step %scan3A_6  : i32 {
        %mul3A_228 = arith.constant 16 : i32
        %mul3A_229 = arith.muli %scan3A_227, %mul3A_228 : i32
        %swap3A_230 = arith.index_cast %mul3A_229 : i32 to index
        %swap3A_231 = tpu.vector_load %arg5[%swap3A_230] {strides = array<i32>} : memref<3600xf32, #tpu.memory_space<vmem>>, vector<16xf32>,
        tpu.vector_store %arg5[%swap3A_230], %broadcast_in_dim3A_3 {strides = array<i32>} : memref<3600xf32, #tpu.memory_space<vmem>>, vector<16xf32>,
        %scan3A_232 = arith.constant 1 : i32
        %scan3A_233 = arith.addi %scan3A_227, %scan3A_232 : i32
        %mul3A_234 = arith.constant 16 : i32
        %mul3A_235 = arith.muli %scan3A_233, %mul3A_234 : i32
        %swap3A_236 = arith.index_cast %mul3A_235 : i32 to index
        %swap3A_237 = tpu.vector_load %arg5[%swap3A_236] {strides = array<i32>} : memref<3600xf32, #tpu.memory_space<vmem>>, vector<16xf32>,
        tpu.vector_store %arg5[%swap3A_236], %broadcast_in_dim3A_3 {strides = array<i32>} : memref<3600xf32, #tpu.memory_space<vmem>>, vector<16xf32>,
        %scan3A_238 = arith.constant 2 : i32
        %scan3A_239 = arith.addi %scan3A_227, %scan3A_238 : i32
        %mul3A_240 = arith.constant 16 : i32
        %mul3A_241 = arith.muli %scan3A_239, %mul3A_240 : i32
        %swap3A_242 = arith.index_cast %mul3A_241 : i32 to index
        %swap3A_243 = tpu.vector_load %arg5[%swap3A_242] {strides = array<i32>} : memref<3600xf32, #tpu.memory_space<vmem>>, vector<16xf32>,
        tpu.vector_store %arg5[%swap3A_242], %broadcast_in_dim3A_3 {strides = array<i32>} : memref<3600xf32, #tpu.memory_space<vmem>>, vector<16xf32>,
        %scan3A_244 = arith.constant 3 : i32
        %scan3A_245 = arith.addi %scan3A_227, %scan3A_244 : i32
        %mul3A_246 = arith.constant 16 : i32
        %mul3A_247 = arith.muli %scan3A_245, %mul3A_246 : i32
        %swap3A_248 = arith.index_cast %mul3A_247 : i32 to index
        %swap3A_249 = tpu.vector_load %arg5[%swap3A_248] {strides = array<i32>} : memref<3600xf32, #tpu.memory_space<vmem>>, vector<16xf32>,
        tpu.vector_store %arg5[%swap3A_248], %broadcast_in_dim3A_3 {strides = array<i32>} : memref<3600xf32, #tpu.memory_space<vmem>>, vector<16xf32>,
      }
      %scan3A_7 = arith.constant 224 : i32
      %scan3A_8 = arith.addi %scan3A, %scan3A_7 : i32
      %mul3A_9 = arith.constant 16 : i32
      %mul3A_10 = arith.muli %scan3A_8, %mul3A_9 : i32
      %swap3A = arith.index_cast %mul3A_10 : i32 to index
      %swap3A_11 = tpu.vector_load %arg5[%swap3A] {strides = array<i32>} : memref<3600xf32, #tpu.memory_space<vmem>>, vector<16xf32>,
      tpu.vector_store %arg5[%swap3A], %broadcast_in_dim3A_3 {strides = array<i32>} : memref<3600xf32, #tpu.memory_space<vmem>>, vector<16xf32>,
      %scan3A_12 = arith.constant 225 : i32
      %iota3A = tpu.iota {dimensions = array<i32: 0>} : vector<16xi32>
      %add3A_13 = arith.constant 0 : i32
      %add3A_14 = vector.broadcast %add3A_13 : i32 to vector<16xi32>
      %add3A_15 = arith.addi %iota3A, %add3A_14 : vector<16xi32>
      %lt3A = arith.constant 60 : i32
      %lt3A_16 = vector.broadcast %lt3A : i32 to vector<16xi32>
      %lt3A_17 = arith.cmpi slt, %add3A_15, %lt3A_16 : vector<16xi32>
      %get3A = arith.constant 0 : index
      %get3A_18 = tpu.vector_load %arg6[%get3A] {strides = array<i32>} : memref<384xi32, #tpu.memory_space<vmem>>, vector<16xi32>,
      %get3A_19 = arith.constant 0 : index
      %get3A_20 = tpu.vector_load %arg7[%get3A_19] {strides = array<i32>} : memref<384xf32, #tpu.memory_space<vmem>>, vector<16xf32>,
      %mul3A_21 = arith.constant 60 : i32
      %mul3A_22 = vector.broadcast %mul3A_21 : i32 to vector<16xi32>
      %mul3A_23 = arith.muli %get3A_18, %mul3A_22 : vector<16xi32>
      %add3A_24 = arith.addi %mul3A_23, %add3A_15 : vector<16xi32>
      tpu.vector_store_idx %arg5[%add3A_24], %get3A_20 masked %lt3A_17 : memref<3600xf32, #tpu.memory_space<vmem>>[vector<16xi32>], vector<16xf32>, vector<16xi1>
      %get3A_25 = arith.constant 64 : index
      %get3A_26 = tpu.vector_load %arg6[%get3A_25] {strides = array<i32>} : memref<384xi32, #tpu.memory_space<vmem>>, vector<16xi32>,
      %get3A_27 = arith.constant 64 : index
      %get3A_28 = tpu.vector_load %arg7[%get3A_27] {strides = array<i32>} : memref<384xf32, #tpu.memory_space<vmem>>, vector<16xf32>,
      %mul3A_29 = arith.constant 60 : i32
      %mul3A_30 = vector.broadcast %mul3A_29 : i32 to vector<16xi32>
      %mul3A_31 = arith.muli %get3A_26, %mul3A_30 : vector<16xi32>
      %add3A_32 = arith.addi %mul3A_31, %add3A_15 : vector<16xi32>
      tpu.vector_store_idx %arg5[%add3A_32], %get3A_28 masked %lt3A_17 : memref<3600xf32, #tpu.memory_space<vmem>>[vector<16xi32>], vector<16xf32>, vector<16xi1>
      %get3A_33 = arith.constant 128 : index
      %get3A_34 = tpu.vector_load %arg6[%get3A_33] {strides = array<i32>} : memref<384xi32, #tpu.memory_space<vmem>>, vector<16xi32>,
      %get3A_35 = arith.constant 128 : index
      %get3A_36 = tpu.vector_load %arg7[%get3A_35] {strides = array<i32>} : memref<384xf32, #tpu.memory_space<vmem>>, vector<16xf32>,
      %mul3A_37 = arith.constant 60 : i32
      %mul3A_38 = vector.broadcast %mul3A_37 : i32 to vector<16xi32>
      %mul3A_39 = arith.muli %get3A_34, %mul3A_38 : vector<16xi32>
      %add3A_40 = arith.addi %mul3A_39, %add3A_15 : vector<16xi32>
      tpu.vector_store_idx %arg5[%add3A_40], %get3A_36 masked %lt3A_17 : memref<3600xf32, #tpu.memory_space<vmem>>[vector<16xi32>], vector<16xf32>, vector<16xi1>
      %get3A_41 = arith.constant 192 : index
      %get3A_42 = tpu.vector_load %arg6[%get3A_41] {strides = array<i32>} : memref<384xi32, #tpu.memory_space<vmem>>, vector<16xi32>,
      %get3A_43 = arith.constant 192 : index
      %get3A_44 = tpu.vector_load %arg7[%get3A_43] {strides = array<i32>} : memref<384xf32, #tpu.memory_space<vmem>>, vector<16xf32>,
      %mul3A_45 = arith.constant 60 : i32
      %mul3A_46 = vector.broadcast %mul3A_45 : i32 to vector<16xi32>
      %mul3A_47 = arith.muli %get3A_42, %mul3A_46 : vector<16xi32>
      %add3A_48 = arith.addi %mul3A_47, %add3A_15 : vector<16xi32>
      tpu.vector_store_idx %arg5[%add3A_48], %get3A_44 masked %lt3A_17 : memref<3600xf32, #tpu.memory_space<vmem>>[vector<16xi32>], vector<16xf32>, vector<16xi1>
      %get3A_49 = arith.constant 256 : index
      %get3A_50 = tpu.vector_load %arg6[%get3A_49] {strides = array<i32>} : memref<384xi32, #tpu.memory_space<vmem>>, vector<16xi32>,
      %get3A_51 = arith.constant 256 : index
      %get3A_52 = tpu.vector_load %arg7[%get3A_51] {strides = array<i32>} : memref<384xf32, #tpu.memory_space<vmem>>, vector<16xf32>,
      %mul3A_53 = arith.constant 60 : i32
      %mul3A_54 = vector.broadcast %mul3A_53 : i32 to vector<16xi32>
      %mul3A_55 = arith.muli %get3A_50, %mul3A_54 : vector<16xi32>
      %add3A_56 = arith.addi %mul3A_55, %add3A_15 : vector<16xi32>
      tpu.vector_store_idx %arg5[%add3A_56], %get3A_52 masked %lt3A_17 : memref<3600xf32, #tpu.memory_space<vmem>>[vector<16xi32>], vector<16xf32>, vector<16xi1>
      %get3A_57 = arith.constant 320 : index
      %get3A_58 = tpu.vector_load %arg6[%get3A_57] {strides = array<i32>} : memref<384xi32, #tpu.memory_space<vmem>>, vector<16xi32>,
      %get3A_59 = arith.constant 320 : index
      %get3A_60 = tpu.vector_load %arg7[%get3A_59] {strides = array<i32>} : memref<384xf32, #tpu.memory_space<vmem>>, vector<16xf32>,
      %mul3A_61 = arith.constant 60 : i32
      %mul3A_62 = vector.broadcast %mul3A_61 : i32 to vector<16xi32>
      %mul3A_63 = arith.muli %get3A_58, %mul3A_62 : vector<16xi32>
      %add3A_64 = arith.addi %mul3A_63, %add3A_15 : vector<16xi32>
      tpu.vector_store_idx %arg5[%add3A_64], %get3A_60 masked %lt3A_17 : memref<3600xf32, #tpu.memory_space<vmem>>[vector<16xi32>], vector<16xf32>, vector<16xi1>
      %add3A_65 = arith.constant 16 : i32
      %add3A_66 = vector.broadcast %add3A_65 : i32 to vector<16xi32>
      %add3A_67 = arith.addi %iota3A, %add3A_66 : vector<16xi32>
      %lt3A_68 = arith.constant 60 : i32
      %lt3A_69 = vector.broadcast %lt3A_68 : i32 to vector<16xi32>
      %lt3A_70 = arith.cmpi slt, %add3A_67, %lt3A_69 : vector<16xi32>
      %get3A_71 = arith.constant 16 : index
      %get3A_72 = tpu.vector_load %arg6[%get3A_71] {strides = array<i32>} : memref<384xi32, #tpu.memory_space<vmem>>, vector<16xi32>,
      %get3A_73 = arith.constant 16 : index
      %get3A_74 = tpu.vector_load %arg7[%get3A_73] {strides = array<i32>} : memref<384xf32, #tpu.memory_space<vmem>>, vector<16xf32>,
      %mul3A_75 = arith.constant 60 : i32
      %mul3A_76 = vector.broadcast %mul3A_75 : i32 to vector<16xi32>
      %mul3A_77 = arith.muli %get3A_72, %mul3A_76 : vector<16xi32>
      %add3A_78 = arith.addi %mul3A_77, %add3A_67 : vector<16xi32>
      tpu.vector_store_idx %arg5[%add3A_78], %get3A_74 masked %lt3A_70 : memref<3600xf32, #tpu.memory_space<vmem>>[vector<16xi32>], vector<16xf32>, vector<16xi1>
      %get3A_79 = arith.constant 80 : index
      %get3A_80 = tpu.vector_load %arg6[%get3A_79] {strides = array<i32>} : memref<384xi32, #tpu.memory_space<vmem>>, vector<16xi32>,
      %get3A_81 = arith.constant 80 : index
      %get3A_82 = tpu.vector_load %arg7[%get3A_81] {strides = array<i32>} : memref<384xf32, #tpu.memory_space<vmem>>, vector<16xf32>,
      %mul3A_83 = arith.constant 60 : i32
      %mul3A_84 = vector.broadcast %mul3A_83 : i32 to vector<16xi32>
      %mul3A_85 = arith.muli %get3A_80, %mul3A_84 : vector<16xi32>
      %add3A_86 = arith.addi %mul3A_85, %add3A_67 : vector<16xi32>
      tpu.vector_store_idx %arg5[%add3A_86], %get3A_82 masked %lt3A_70 : memref<3600xf32, #tpu.memory_space<vmem>>[vector<16xi32>], vector<16xf32>, vector<16xi1>
      %get3A_87 = arith.constant 144 : index
      %get3A_88 = tpu.vector_load %arg6[%get3A_87] {strides = array<i32>} : memref<384xi32, #tpu.memory_space<vmem>>, vector<16xi32>,
      %get3A_89 = arith.constant 144 : index
      %get3A_90 = tpu.vector_load %arg7[%get3A_89] {strides = array<i32>} : memref<384xf32, #tpu.memory_space<vmem>>, vector<16xf32>,
      %mul3A_91 = arith.constant 60 : i32
      %mul3A_92 = vector.broadcast %mul3A_91 : i32 to vector<16xi32>
      %mul3A_93 = arith.muli %get3A_88, %mul3A_92 : vector<16xi32>
      %add3A_94 = arith.addi %mul3A_93, %add3A_67 : vector<16xi32>
      tpu.vector_store_idx %arg5[%add3A_94], %get3A_90 masked %lt3A_70 : memref<3600xf32, #tpu.memory_space<vmem>>[vector<16xi32>], vector<16xf32>, vector<16xi1>
      %get3A_95 = arith.constant 208 : index
      %get3A_96 = tpu.vector_load %arg6[%get3A_95] {strides = array<i32>} : memref<384xi32, #tpu.memory_space<vmem>>, vector<16xi32>,
      %get3A_97 = arith.constant 208 : index
      %get3A_98 = tpu.vector_load %arg7[%get3A_97] {strides = array<i32>} : memref<384xf32, #tpu.memory_space<vmem>>, vector<16xf32>,
      %mul3A_99 = arith.constant 60 : i32
      %mul3A_100 = vector.broadcast %mul3A_99 : i32 to vector<16xi32>
      %mul3A_101 = arith.muli %get3A_96, %mul3A_100 : vector<16xi32>
      %add3A_102 = arith.addi %mul3A_101, %add3A_67 : vector<16xi32>
      tpu.vector_store_idx %arg5[%add3A_102], %get3A_98 masked %lt3A_70 : memref<3600xf32, #tpu.memory_space<vmem>>[vector<16xi32>], vector<16xf32>, vector<16xi1>
      %get3A_103 = arith.constant 272 : index
      %get3A_104 = tpu.vector_load %arg6[%get3A_103] {strides = array<i32>} : memref<384xi32, #tpu.memory_space<vmem>>, vector<16xi32>,
      %get3A_105 = arith.constant 272 : index
      %get3A_106 = tpu.vector_load %arg7[%get3A_105] {strides = array<i32>} : memref<384xf32, #tpu.memory_space<vmem>>, vector<16xf32>,
      %mul3A_107 = arith.constant 60 : i32
      %mul3A_108 = vector.broadcast %mul3A_107 : i32 to vector<16xi32>
      %mul3A_109 = arith.muli %get3A_104, %mul3A_108 : vector<16xi32>
      %add3A_110 = arith.addi %mul3A_109, %add3A_67 : vector<16xi32>
      tpu.vector_store_idx %arg5[%add3A_110], %get3A_106 masked %lt3A_70 : memref<3600xf32, #tpu.memory_space<vmem>>[vector<16xi32>], vector<16xf32>, vector<16xi1>
      %get3A_111 = arith.constant 336 : index
      %get3A_112 = tpu.vector_load %arg6[%get3A_111] {strides = array<i32>} : memref<384xi32, #tpu.memory_space<vmem>>, vector<16xi32>,
      %get3A_113 = arith.constant 336 : index
      %get3A_114 = tpu.vector_load %arg7[%get3A_113] {strides = array<i32>} : memref<384xf32, #tpu.memory_space<vmem>>, vector<16xf32>,
      %mul3A_115 = arith.constant 60 : i32
      %mul3A_116 = vector.broadcast %mul3A_115 : i32 to vector<16xi32>
      %mul3A_117 = arith.muli %get3A_112, %mul3A_116 : vector<16xi32>
      %add3A_118 = arith.addi %mul3A_117, %add3A_67 : vector<16xi32>
      tpu.vector_store_idx %arg5[%add3A_118], %get3A_114 masked %lt3A_70 : memref<3600xf32, #tpu.memory_space<vmem>>[vector<16xi32>], vector<16xf32>, vector<16xi1>
      %add3A_119 = arith.constant 32 : i32
      %add3A_120 = vector.broadcast %add3A_119 : i32 to vector<16xi32>
      %add3A_121 = arith.addi %iota3A, %add3A_120 : vector<16xi32>
      %lt3A_122 = arith.constant 60 : i32
      %lt3A_123 = vector.broadcast %lt3A_122 : i32 to vector<16xi32>
      %lt3A_124 = arith.cmpi slt, %add3A_121, %lt3A_123 : vector<16xi32>
      %get3A_125 = arith.constant 32 : index
      %get3A_126 = tpu.vector_load %arg6[%get3A_125] {strides = array<i32>} : memref<384xi32, #tpu.memory_space<vmem>>, vector<16xi32>,
      %get3A_127 = arith.constant 32 : index
      %get3A_128 = tpu.vector_load %arg7[%get3A_127] {strides = array<i32>} : memref<384xf32, #tpu.memory_space<vmem>>, vector<16xf32>,
      %mul3A_129 = arith.constant 60 : i32
      %mul3A_130 = vector.broadcast %mul3A_129 : i32 to vector<16xi32>
      %mul3A_131 = arith.muli %get3A_126, %mul3A_130 : vector<16xi32>
      %add3A_132 = arith.addi %mul3A_131, %add3A_121 : vector<16xi32>
      tpu.vector_store_idx %arg5[%add3A_132], %get3A_128 masked %lt3A_124 : memref<3600xf32, #tpu.memory_space<vmem>>[vector<16xi32>], vector<16xf32>, vector<16xi1>
      %get3A_133 = arith.constant 96 : index
      %get3A_134 = tpu.vector_load %arg6[%get3A_133] {strides = array<i32>} : memref<384xi32, #tpu.memory_space<vmem>>, vector<16xi32>,
      %get3A_135 = arith.constant 96 : index
      %get3A_136 = tpu.vector_load %arg7[%get3A_135] {strides = array<i32>} : memref<384xf32, #tpu.memory_space<vmem>>, vector<16xf32>,
      %mul3A_137 = arith.constant 60 : i32
      %mul3A_138 = vector.broadcast %mul3A_137 : i32 to vector<16xi32>
      %mul3A_139 = arith.muli %get3A_134, %mul3A_138 : vector<16xi32>
      %add3A_140 = arith.addi %mul3A_139, %add3A_121 : vector<16xi32>
      tpu.vector_store_idx %arg5[%add3A_140], %get3A_136 masked %lt3A_124 : memref<3600xf32, #tpu.memory_space<vmem>>[vector<16xi32>], vector<16xf32>, vector<16xi1>
      %get3A_141 = arith.constant 160 : index
      %get3A_142 = tpu.vector_load %arg6[%get3A_141] {strides = array<i32>} : memref<384xi32, #tpu.memory_space<vmem>>, vector<16xi32>,
      %get3A_143 = arith.constant 160 : index
      %get3A_144 = tpu.vector_load %arg7[%get3A_143] {strides = array<i32>} : memref<384xf32, #tpu.memory_space<vmem>>, vector<16xf32>,
      %mul3A_145 = arith.constant 60 : i32
      %mul3A_146 = vector.broadcast %mul3A_145 : i32 to vector<16xi32>
      %mul3A_147 = arith.muli %get3A_142, %mul3A_146 : vector<16xi32>
      %add3A_148 = arith.addi %mul3A_147, %add3A_121 : vector<16xi32>
      tpu.vector_store_idx %arg5[%add3A_148], %get3A_144 masked %lt3A_124 : memref<3600xf32, #tpu.memory_space<vmem>>[vector<16xi32>], vector<16xf32>, vector<16xi1>
      %get3A_149 = arith.constant 224 : index
      %get3A_150 = tpu.vector_load %arg6[%get3A_149] {strides = array<i32>} : memref<384xi32, #tpu.memory_space<vmem>>, vector<16xi32>,
      %get3A_151 = arith.constant 224 : index
      %get3A_152 = tpu.vector_load %arg7[%get3A_151] {strides = array<i32>} : memref<384xf32, #tpu.memory_space<vmem>>, vector<16xf32>,
      %mul3A_153 = arith.constant 60 : i32
      %mul3A_154 = vector.broadcast %mul3A_153 : i32 to vector<16xi32>
      %mul3A_155 = arith.muli %get3A_150, %mul3A_154 : vector<16xi32>
      %add3A_156 = arith.addi %mul3A_155, %add3A_121 : vector<16xi32>
      tpu.vector_store_idx %arg5[%add3A_156], %get3A_152 masked %lt3A_124 : memref<3600xf32, #tpu.memory_space<vmem>>[vector<16xi32>], vector<16xf32>, vector<16xi1>
      %get3A_157 = arith.constant 288 : index
      %get3A_158 = tpu.vector_load %arg6[%get3A_157] {strides = array<i32>} : memref<384xi32, #tpu.memory_space<vmem>>, vector<16xi32>,
      %get3A_159 = arith.constant 288 : index
      %get3A_160 = tpu.vector_load %arg7[%get3A_159] {strides = array<i32>} : memref<384xf32, #tpu.memory_space<vmem>>, vector<16xf32>,
      %mul3A_161 = arith.constant 60 : i32
      %mul3A_162 = vector.broadcast %mul3A_161 : i32 to vector<16xi32>
      %mul3A_163 = arith.muli %get3A_158, %mul3A_162 : vector<16xi32>
      %add3A_164 = arith.addi %mul3A_163, %add3A_121 : vector<16xi32>
      tpu.vector_store_idx %arg5[%add3A_164], %get3A_160 masked %lt3A_124 : memref<3600xf32, #tpu.memory_space<vmem>>[vector<16xi32>], vector<16xf32>, vector<16xi1>
      %get3A_165 = arith.constant 352 : index
      %get3A_166 = tpu.vector_load %arg6[%get3A_165] {strides = array<i32>} : memref<384xi32, #tpu.memory_space<vmem>>, vector<16xi32>,
      %get3A_167 = arith.constant 352 : index
      %get3A_168 = tpu.vector_load %arg7[%get3A_167] {strides = array<i32>} : memref<384xf32, #tpu.memory_space<vmem>>, vector<16xf32>,
      %mul3A_169 = arith.constant 60 : i32
      %mul3A_170 = vector.broadcast %mul3A_169 : i32 to vector<16xi32>
      %mul3A_171 = arith.muli %get3A_166, %mul3A_170 : vector<16xi32>
      %add3A_172 = arith.addi %mul3A_171, %add3A_121 : vector<16xi32>
      tpu.vector_store_idx %arg5[%add3A_172], %get3A_168 masked %lt3A_124 : memref<3600xf32, #tpu.memory_space<vmem>>[vector<16xi32>], vector<16xf32>, vector<16xi1>
      %add3A_173 = arith.constant 48 : i32
      %add3A_174 = vector.broadcast %add3A_173 : i32 to vector<16xi32>
      %add3A_175 = arith.addi %iota3A, %add3A_174 : vector<16xi32>
      %lt3A_176 = arith.constant 60 : i32
      %lt3A_177 = vector.broadcast %lt3A_176 : i32 to vector<16xi32>
      %lt3A_178 = arith.cmpi slt, %add3A_175, %lt3A_177 : vector<16xi32>
      %get3A_179 = arith.constant 48 : index
      %get3A_180 = tpu.vector_load %arg6[%get3A_179] {strides = array<i32>} : memref<384xi32, #tpu.memory_space<vmem>>, vector<16xi32>,
      %get3A_181 = arith.constant 48 : index
      %get3A_182 = tpu.vector_load %arg7[%get3A_181] {strides = array<i32>} : memref<384xf32, #tpu.memory_space<vmem>>, vector<16xf32>,
      %mul3A_183 = arith.constant 60 : i32
      %mul3A_184 = vector.broadcast %mul3A_183 : i32 to vector<16xi32>
      %mul3A_185 = arith.muli %get3A_180, %mul3A_184 : vector<16xi32>
      %add3A_186 = arith.addi %mul3A_185, %add3A_175 : vector<16xi32>
      tpu.vector_store_idx %arg5[%add3A_186], %get3A_182 masked %lt3A_178 : memref<3600xf32, #tpu.memory_space<vmem>>[vector<16xi32>], vector<16xf32>, vector<16xi1>
      %get3A_187 = arith.constant 112 : index
      %get3A_188 = tpu.vector_load %arg6[%get3A_187] {strides = array<i32>} : memref<384xi32, #tpu.memory_space<vmem>>, vector<16xi32>,
      %get3A_189 = arith.constant 112 : index
      %get3A_190 = tpu.vector_load %arg7[%get3A_189] {strides = array<i32>} : memref<384xf32, #tpu.memory_space<vmem>>, vector<16xf32>,
      %mul3A_191 = arith.constant 60 : i32
      %mul3A_192 = vector.broadcast %mul3A_191 : i32 to vector<16xi32>
      %mul3A_193 = arith.muli %get3A_188, %mul3A_192 : vector<16xi32>
      %add3A_194 = arith.addi %mul3A_193, %add3A_175 : vector<16xi32>
      tpu.vector_store_idx %arg5[%add3A_194], %get3A_190 masked %lt3A_178 : memref<3600xf32, #tpu.memory_space<vmem>>[vector<16xi32>], vector<16xf32>, vector<16xi1>
      %get3A_195 = arith.constant 176 : index
      %get3A_196 = tpu.vector_load %arg6[%get3A_195] {strides = array<i32>} : memref<384xi32, #tpu.memory_space<vmem>>, vector<16xi32>,
      %get3A_197 = arith.constant 176 : index
      %get3A_198 = tpu.vector_load %arg7[%get3A_197] {strides = array<i32>} : memref<384xf32, #tpu.memory_space<vmem>>, vector<16xf32>,
      %mul3A_199 = arith.constant 60 : i32
      %mul3A_200 = vector.broadcast %mul3A_199 : i32 to vector<16xi32>
      %mul3A_201 = arith.muli %get3A_196, %mul3A_200 : vector<16xi32>
      %add3A_202 = arith.addi %mul3A_201, %add3A_175 : vector<16xi32>
      tpu.vector_store_idx %arg5[%add3A_202], %get3A_198 masked %lt3A_178 : memref<3600xf32, #tpu.memory_space<vmem>>[vector<16xi32>], vector<16xf32>, vector<16xi1>
      %get3A_203 = arith.constant 240 : index
      %get3A_204 = tpu.vector_load %arg6[%get3A_203] {strides = array<i32>} : memref<384xi32, #tpu.memory_space<vmem>>, vector<16xi32>,
      %get3A_205 = arith.constant 240 : index
      %get3A_206 = tpu.vector_load %arg7[%get3A_205] {strides = array<i32>} : memref<384xf32, #tpu.memory_space<vmem>>, vector<16xf32>,
      %mul3A_207 = arith.constant 60 : i32
      %mul3A_208 = vector.broadcast %mul3A_207 : i32 to vector<16xi32>
      %mul3A_209 = arith.muli %get3A_204, %mul3A_208 : vector<16xi32>
      %add3A_210 = arith.addi %mul3A_209, %add3A_175 : vector<16xi32>
      tpu.vector_store_idx %arg5[%add3A_210], %get3A_206 masked %lt3A_178 : memref<3600xf32, #tpu.memory_space<vmem>>[vector<16xi32>], vector<16xf32>, vector<16xi1>
      %get3A_211 = arith.constant 304 : index
      %get3A_212 = tpu.vector_load %arg6[%get3A_211] {strides = array<i32>} : memref<384xi32, #tpu.memory_space<vmem>>, vector<16xi32>,
      %get3A_213 = arith.constant 304 : index
      %get3A_214 = tpu.vector_load %arg7[%get3A_213] {strides = array<i32>} : memref<384xf32, #tpu.memory_space<vmem>>, vector<16xf32>,
      %mul3A_215 = arith.constant 60 : i32
      %mul3A_216 = vector.broadcast %mul3A_215 : i32 to vector<16xi32>
      %mul3A_217 = arith.muli %get3A_212, %mul3A_216 : vector<16xi32>
      %add3A_218 = arith.addi %mul3A_217, %add3A_175 : vector<16xi32>
      tpu.vector_store_idx %arg5[%add3A_218], %get3A_214 masked %lt3A_178 : memref<3600xf32, #tpu.memory_space<vmem>>[vector<16xi32>], vector<16xf32>, vector<16xi1>
      %get3A_219 = arith.constant 368 : index
      %get3A_220 = tpu.vector_load %arg6[%get3A_219] {strides = array<i32>} : memref<384xi32, #tpu.memory_space<vmem>>, vector<16xi32>,
      %get3A_221 = arith.constant 368 : index
      %get3A_222 = tpu.vector_load %arg7[%get3A_221] {strides = array<i32>} : memref<384xf32, #tpu.memory_space<vmem>>, vector<16xf32>,
      %mul3A_223 = arith.constant 60 : i32
      %mul3A_224 = vector.broadcast %mul3A_223 : i32 to vector<16xi32>
      %mul3A_225 = arith.muli %get3A_220, %mul3A_224 : vector<16xi32>
      %add3A_226 = arith.addi %mul3A_225, %add3A_175 : vector<16xi32>
      tpu.vector_store_idx %arg5[%add3A_226], %get3A_222 masked %lt3A_178 : memref<3600xf32, #tpu.memory_space<vmem>>[vector<16xi32>], vector<16xf32>, vector<16xi1>
      "tpu.region"() ({
        %run_scoped3A = tpu.sem_alloc : memref<!tpu.dma_semaphore, #tpu.memory_space<semaphore_mem>>
        tpu.enqueue_dma source(%arg5 : memref<3600xf32, #tpu.memory_space<vmem>>) target(%arg4 : memref<3600xf32, #tpu.memory_space<hbm>>) target_semaphore(%run_scoped3A : memref<!tpu.dma_semaphore, #tpu.memory_space<semaphore_mem>>)
        tpu.wait_dma2 semaphore(%run_scoped3A : memref<!tpu.dma_semaphore, #tpu.memory_space<semaphore_mem>>) src(%arg5 : memref<3600xf32, #tpu.memory_space<vmem>>) dst(%arg4 : memref<3600xf32, #tpu.memory_space<hbm>>)
        tpu.yield
      }) : () -> ()
    } else {
    }
    return
  }
}

module attributes {stable_mosaic.version = 14 : i64} {
  func.func @body(%arg0: i32, %arg1: memref<16384x60xf32, #tpu.memory_space<vmem>>, %arg2: memref<60x60xf32, #tpu.memory_space<vmem>>, %arg3: memref<16384x60xf32, #tpu.memory_space<vmem>>) attributes {dimension_semantics = [#tpu.dimension_semantics<arbitrary>], iteration_bounds = array<i64: 16>, scalar_prefetch = 0 : i64, scratch_operands = 0 : i64, tpu.core_type = #tpu.core_type<tc>, window_params = [{transform_indices = @transform_0, window_bounds = array<i64: 16384, 60>}, {pipeline_mode = #tpu.pipeline_mode<synchronous>, transform_indices = @transform_1, window_bounds = array<i64: 60, 60>}, {transform_indices = @transform_2, window_bounds = array<i64: 16384, 60>}]} {
    %get3A = arith.constant 0 : index
    %get3A_0 = arith.constant 0 : index
    %get3A_1 = vector.load %arg1[%get3A, %get3A_0] : memref<16384x60xf32, #tpu.memory_space<vmem>>, vector<16384x60xf32>
    %get3A_2 = arith.constant 0 : index
    %get3A_3 = arith.constant 0 : index
    %get3A_4 = vector.load %arg2[%get3A_2, %get3A_3] : memref<60x60xf32, #tpu.memory_space<vmem>>, vector<60x60xf32>
    %dot_general3A = arith.constant dense<0.000000e+00> : vector<16384x60xf32>
    %dot_general3A_5 = tpu.matmul %get3A_1, %get3A_4, %dot_general3A {dimension_numbers = #tpu.dot_dimension_numbers<[1], [0], [0], [1], [0, 0, 1, 1], [], []>, transpose_lhs_hint = false} : vector<16384x60xf32>, vector<60x60xf32>, vector<16384x60xf32> -> vector<16384x60xf32>
    %swap3A = arith.constant 0 : index
    %swap3A_6 = arith.constant 0 : index
    %swap3A_7 = vector.load %arg3[%swap3A, %swap3A_6] : memref<16384x60xf32, #tpu.memory_space<vmem>>, vector<16384x60xf32>
    tpu.vector_store %arg3[%swap3A, %swap3A_6], %dot_general3A_5 {strides = array<i32>} : memref<16384x60xf32, #tpu.memory_space<vmem>>, vector<16384x60xf32>,
    return
  }
  func.func @transform_0(%arg0: i32) -> (i32, i32) {
    %c0_i32 = arith.constant 0 : i32
    %c0_i32_0 = arith.constant 0 : i32
    return %arg0, %c0_i32 : i32, i32
  }
  func.func @transform_1(%arg0: i32) -> (i32, i32) {
    %c0_i32 = arith.constant 0 : i32
    %c0_i32_0 = arith.constant 0 : i32
    %c0_i32_1 = arith.constant 0 : i32
    return %c0_i32, %c0_i32_0 : i32, i32
  }
  func.func @transform_2(%arg0: i32) -> (i32, i32) {
    %c0_i32 = arith.constant 0 : i32
    %c0_i32_0 = arith.constant 0 : i32
    return %arg0, %c0_i32 : i32, i32
  }
}

</mosaic_0001>

<sc_bundles>
// kernel: kernel.4.cloned.1.call-start
scs
__scs_entry_jumppad:
0x0: {  	(pc) =	sbr.rel $0x88, $3  }
0x1: {  	(tag) =	ssettag $0x0;
	lr =	simm.s32 $0x1  }
0x2: {  	[smem:$0x3F9C] =	sst lr;
	_ =	strace $0xD0000000  }
0x3: {  	_ = 	snop  }
0x4: {  	_ = 	snop  }
0x5: {  	_ = 	snop  }
0x6: {  	_ = 	snop  }
0x7: {  	_ = 	snop  }
__scs_overlays_trampoline_lowered:
0x8: {  	[smem:$0x3FAB] =	sst s0  }
0x9: {  	[smem:$0x3FAC] =	sst s1  }
0xa: {  	[smem:$0x3FAD] =	sst s2  }
0xb: {  	[smem:$0x3FAE] =	sst s3  }
0xc: {  	[smem:$0x3FAF] =	sst s4  }
0xd: {  	[smem:$0x3FB0] =	sst s5  }
0xe: {  	[smem:$0x3FB1] =	sst s6  }
0xf: {  	[smem:$0x3FB2] =	sst s7  }
0x10: {  	[smem:$0x3FB3] =	sst s8  }
0x11: {  	[smem:$0x3FB4] =	sst s9;
	s0 =	simm.s32 @!p0 $0x0  }
0x12: {  	s1 =	sld [smem:$0x3F9A];
	s0 =	simm.s32 @p0 $0x1  }
0x13: {  	[smem:$0x3FB5] =	sst s0;
	s0 =	simm.s32 @!p1 $0x0  }
0x14: {  	s2 =	sld [smem:$0x3F99];
	s0 =	simm.s32 @p1 $0x1  }
0x15: {  	[smem:$0x3FB6] =	sst s0;
	s0 =	simm.s32 @!p2 $0x0  }
0x16: {  	s3 =	sld [smem:$0x3FDB];
	s0 =	simm.s32 @p2 $0x1  }
0x17: {  	s4 =	simm.s32 $0x1BF5;
	[smem:$0x3FB8] =	sst s0  }
0x18: {  	s0 =	sld [smem:$0x3F9B];
	_ =	swait.ge [sflag:s4], $0x0  }
0x19: {  	s7 =	sld [smem:$0x3F9C]  }
0x1a: {  	s8 =	sadd.s32 $0xFFFFE003, lr  }
0x1b: {  	s9 =	sadd.s32 $0xFFFFFEF7, lr;
	s5 =	simm.s32 $0xFFFFFFFF;
	p2 =	slt.u32 s8, $0xFFFFF086  }
0x1c: {  	p1 =	slt.u32 s9, $0xF7A;
	s5 =	simm.s32 @!p2 $0x0  }
0x1d: {  	s5 =	simm.s32 @p1 $0x1;
	p0 =	seq.s32 s7, s2  }
0x1e: {  	s7 =	smul.u32 @!p0 $0xF7A, s2;
	p2 =	seq.s32 @!p0 s5, $0x0  }
0x1f: {  	s9 =	smul.u32 $0xF7A, s1;
	s8 =	simm.s32 @!p0 $0x1BF5;
	p2 =	por !p2, p0  }
0x20: {  	[sflag:s8] =	ssyncset.s32 @!p0 $0xFFFFF086;
	s6 =	sadd.s32 @!p0 s3, s7;
	s7 =	simm.s32 @!p0 $0x108  }
0x21: {  	s3 =	sadd.s32 s3, s9;
	s6 =	sadd.s32 @!p0 $0x88, s6;
	s7 =	simm.s32 @p2 $0x1082  }
0x22: {  	[simem:s7], [sflag:s8] =	dma.local @!p0 [hbm:s6], $0xF7A  }
0x23: {  	s9 =	sor.u32 $0xD0000000, s2;
	s6 =	simm.s32 $0x108;
	_ =	swait.ge @!p0 [sflag:s8], $0x0  }
0x24: {  	s3 =	sadd.s32 $0x88, s3;
	s6 =	simm.s32 @!p1 $0x1082;
	[sflag:s4] =	ssyncset.s32 $0xFFFFF086  }
0x25: {  	[simem:s6], [sflag:s4] =	dma.local [hbm:s3], $0xF7A  }
0x26: {  	[smem:$0x3F9C] =	sst s1;
	(tag) =	ssettag s2;
	_ =	strace s9  }
0x27: {  	s1 =	sld [smem:$0x3FAC]  }
0x28: {  	s2 =	sld [smem:$0x3FAD]  }
0x29: {  	s4 =	sld [smem:$0x3FAF]  }
0x2a: {  	p0 =	seq.s32 s5, $0x0;
	s5 =	sld [smem:$0x3FB0]  }
0x2b: {  	s6 =	sld [smem:$0x3FB1]  }
0x2c: {  	s7 =	sld [smem:$0x3FB2]  }
0x2d: {  	s3 =	simm.s32 $0x108;
	s8 =	sld [smem:$0x3FB3]  }
0x2e: {  	s3 =	simm.s32 @!p0 $0x1082;
	s9 =	sld [smem:$0x3FB4]  }
0x2f: {  	lr =	sadd.s32 s0, s3;
	s0 =	sld [smem:$0x3FAB]  }
0x30: {  	s3 =	sld [smem:$0x3FAE]  }
0x31: {  	[smem:$0x3FB7] =	sst s10  }
0x32: {  	s10 =	sld [smem:$0x3FB5];
	_ =	sdelay $0x3  }
0x33: {  	p0 =	seq.s32 s10, $0x1;
	s10 =	sld [smem:$0x3FB7];
	_ =	sdelay $0x3  }
0x34: {  	[smem:$0x3FB7] =	sst s10  }
0x35: {  	s10 =	sld [smem:$0x3FB6];
	_ =	sdelay $0x3  }
0x36: {  	p1 =	seq.s32 s10, $0x1;
	s10 =	sld [smem:$0x3FB7];
	_ =	sdelay $0x3  }
0x37: {  	[smem:$0x3FB7] =	sst s10  }
0x38: {  	s10 =	sld [smem:$0x3FB8]  }
0x39: {  	_ = 	snop;
	(pc) =	sbr.ind lr, $3  }
0x3a: {  	_ = 	snop  }
0x3b: {  	_ = 	snop  }
0x3c: {  	p2 =	seq.s32 s10, $0x1;
	s10 =	sld [smem:$0x3FB7]  }
0x3d: {  	_ =	shalt  }
0x3e: {  	_ =	shalt  }
0x3f: {  	_ =	shalt  }
0x40: {  	_ =	shalt  }
0x41: {  	_ =	shalt  }
0x42: {  	_ =	shalt  }
0x43: {  	_ =	shalt  }
0x44: {  	_ =	shalt  }
0x45: {  	_ =	shalt  }
0x46: {  	_ =	shalt  }
0x47: {  	_ =	shalt  }
0x48: {  	_ =	shalt  }
0x49: {  	_ =	shalt  }
0x4a: {  	_ =	shalt  }
0x4b: {  	_ =	shalt  }
0x4c: {  	_ =	shalt  }
0x4d: {  	_ =	shalt  }
0x4e: {  	_ =	shalt  }
0x4f: {  	_ =	shalt  }
0x50: {  	_ =	shalt  }
0x51: {  	_ =	shalt  }
0x52: {  	_ =	shalt  }
0x53: {  	_ =	shalt  }
0x54: {  	_ =	shalt  }
0x55: {  	_ =	shalt  }
0x56: {  	_ =	shalt  }
0x57: {  	_ =	shalt  }
0x58: {  	_ =	shalt  }
0x59: {  	_ =	shalt  }
0x5a: {  	_ =	shalt  }
0x5b: {  	_ =	shalt  }
0x5c: {  	_ =	shalt  }
0x5d: {  	_ =	shalt  }
0x5e: {  	_ =	shalt  }
0x5f: {  	_ =	shalt  }
0x60: {  	_ =	shalt  }
0x61: {  	_ =	shalt  }
0x62: {  	_ =	shalt  }
0x63: {  	_ =	shalt  }
0x64: {  	_ =	shalt  }
0x65: {  	_ =	shalt  }
0x66: {  	_ =	shalt  }
0x67: {  	_ =	shalt  }
0x68: {  	_ =	shalt  }
0x69: {  	_ =	shalt  }
0x6a: {  	_ =	shalt  }
0x6b: {  	_ =	shalt  }
0x6c: {  	_ =	shalt  }
0x6d: {  	_ =	shalt  }
0x6e: {  	_ =	shalt  }
0x6f: {  	_ =	shalt  }
0x70: {  	_ =	shalt  }
0x71: {  	_ =	shalt  }
0x72: {  	_ =	shalt  }
0x73: {  	_ =	shalt  }
0x74: {  	_ =	shalt  }
0x75: {  	_ =	shalt  }
0x76: {  	_ =	shalt  }
0x77: {  	_ =	shalt  }
0x78: {  	_ =	shalt  }
0x79: {  	_ =	shalt  }
0x7a: {  	_ =	shalt  }
0x7b: {  	_ =	shalt  }
0x7c: {  	_ =	shalt  }
0x7d: {  	_ =	shalt  }
0x7e: {  	_ =	shalt  }
0x7f: {  	_ =	shalt  }
0x80: {  	_ =	shalt  }
0x81: {  	_ =	shalt  }
0x82: {  	_ =	shalt  }
0x83: {  	_ =	shalt  }
0x84: {  	_ =	shalt  }
0x85: {  	_ =	shalt  }
0x86: {  	_ =	shalt  }
0x87: {  	_ =	shalt  }
.Lfunc_end0:
.L_simem_size_0:
called_computation.1_lowered:
.L_overlay_start_0:
0x88: {  	s2 =	sld [smem:$0x3FD9]  }
0x89: {  	s3 =	sld [smem:$0x3FFE];
	_ =	sdelay $0x1  }
0x8a: {  	s1 =	srdreg.scid  }
0x8b: {  	s0 =	sand.u32 $0x1, s1  }
0x8c: {  	s15 =	sshll.u32 s0, $0xA;
	s2 =	sadd.s32 s3, s2  }
0x8d: {  	s2 =	sadd.s32 s2, s15  }
0x8e: {  	[smem:$0x3FC3] =	sst s2  }
0x8f: {  	_ = 	snop  }
0x90: {  	s2 =	sld [smem:$0x3FD0];
	_ =	sdelay $0x2  }
0x91: {  	s16 =	simm.s32 $0xA;
	s4 =	simm.s32 $0x10  }
0x92: {  	[smem:s4], [sflag:s16] =	dma.local [hbm:s2], $0x1  }
0x93: {  	_ =	swait.eq [sflag:s16], $0x1  }
0x94: {  	s17 =	sld [smem:$0x10];
	[sflag:s16] =	ssyncset.done $0x0  }
0x95: {  	s18 =	sld [smem:$0x11];
	[sflag:s16] =	ssyncadd.s32 $0xFFFFFFFF  }
0x96: {  	s19 =	sld [smem:$0x12];
	(tm) =	ssettm $0x1  }
0x97: {  	s5 =	sld [smem:$0x3FFB];
	_ =	sdelay $0x3  }
0x98: {  	_ =	strace s5  }
0x99: {  	s5 =	sld [smem:$0x3FFC];
	_ =	sdelay $0x3  }
0x9a: {  	_ =	strace s5  }
0x9b: {  	s5 =	sld [smem:$0x3FFD];
	_ =	sdelay $0x3  }
0x9c: {  	_ =	strace s5  }
0x9d: {  	_ =	strace $0x8FFFFFFF  }
0x9e: {  	s20 =	sld [smem:$0x3FDB];
	_ =	sdelay $0x1  }
0x9f: {  	s6 =	simm.s32 $_scs_section_size  }
0xa0: {  	s7 =	simm.s32 $_size__tile_overlayer_lowered;
	s8 =	simm.s32 $_tile_overlayer_lowered  }
0xa1: {  	s23 =	simm.s32 $0x1BFF;
	s22 =	sshll.u32 s8, $0x1;
	s5 =	sadd.s32 s6, s20  }
0xa2: {  	s9 =	simm.s32 $0x0;
	s21 =	sshll.u32 s7, $0x1;
	s7 =	sadd.s32 s22, s5  }
0xa3: {  	[timem:s9], [sflag:s23] =	dma.local [hbm:s7], s21  }
0xa4: {  	_ =	swait.ge [sflag:s23], s21  }
0xa5: {  	s6 =	ssub.s32 $0x0, s21;
	[sflag:s23] =	ssyncset.done $0x0  }
0xa6: {  	[sflag:s23] =	ssyncadd.s32 s6;
	_ =	sdelay $0x1  }
0xa7: {  	s24 =	simm.s32 $0x1B8B  }
0xa8: {  	_ =	swait.ge [sflag:s24], $0x1  }
0xa9: {  	[sflag:s24] =	ssyncset.done $0x0  }
0xaa: {  	s25 =	simm.s32 $0x1B8E;
	[sflag:s24] =	ssyncadd.s32 $0xFFFFFFFF  }
0xab: {  	s26 =	simm.s32 $execute0_lowered;
	[smem:$0x3FD2] =	sst s25  }
0xac: {  	s6 =	sshll.u32 s26, $0x1;
	_ =	strace $0x80000046;
	[dreg:$0x1] =	wrdreg $0xFFFFFFFF  }
0xad: {  	s28 =	simm.s32 $_size_execute0_lowered;
	s5 =	sadd.s32 s5, s6;
	[dreg:$0x0] =	wrdreg $0x0  }
0xae: {  	s6 =	sshll.u32 s28, $0x1;
	[dreg:$0x2] =	wrdreg s5  }
0xaf: {  	[dreg:$0x3] =	wrdreg s6  }
0xb0: {  	[dreg:$0x4] =	wrdreg $0xC0  }
0xb1: {  	_ =	task [dreg:s9], $0x5FFFF  }
0xb2: {  	[dreg:$0x1] =	wrdreg $0xFFFFFFFF  }
0xb3: {  	[dreg:$0x0] =	wrdreg $0x60  }
0xb4: {  	[dreg:$0x2] =	wrdreg s19  }
0xb5: {  	[dreg:$0x3] =	wrdreg s18  }
0xb6: {  	[dreg:$0x4] =	wrdreg s17  }
0xb7: {  	[dreg:$0x5] =	wrdreg $0x9  }
0xb8: {  	_ =	task.clear_ibuf [dreg:s9], $0x6FFFF;
	_ =	strace $0x90000046  }
0xb9: {  	s29 =	simm.s32 $0x9;
	_ =	strace $0x80000048  }
0xba: {  	_ =	swait.ge [sflag:s29], $0x1  }
0xbb: {  	[sflag:s29] =	ssyncadd.s32 $0xFFFFFFFF  }
0xbc: {  	_ =	strace $0x90000048  }
0xbd: {  	_ =	sfence  }
0xbe: {  	s30 =	sld [smem:$0x0];
	_ =	sdelay $0x2  }
0xbf: {  	s31 =	sshll.u32 s1, $0xD;
	s1 =	sshrl.u32 s1, $0x2  }
0xc0: {  	s3 =	sand.u32 $0x4000, s31;
	s1 =	sadd.s32 s1, s30  }
0xc1: {  	s0 =	sor.u32 s3, s0;
	s1 =	sshll.u32 s1, $0x11  }
0xc2: {  	s0 =	sor.u32 s1, s0  }
0xc3: {  	s0 =	sadd.s32 $0x8F2B, s0  }
0xc4: {  	[sflag:s0] =	ssyncadd.remote.s32 $0x1  }
0xc5: {  	_ =	sfence.sel $0xFFFF  }
0xc6: {  	[dreg:$0x0] =	wrdreg $0xFFFFFFFF;
	(pc) =	sbr.abs _section_cstart, $3  }
0xc7: {  	[dreg:$0x1] =	wrdreg $0xFFFFFFFF  }
0xc8: {  	_ =	task.clear_ibuf [dreg:s9], $0x2FFFF;
	_ =	strace $0x9FFFFFFF  }
0xc9: {  	(tm) =	ssettm $0x7FFFFFFF  }
tec
execute0_lowered:
.L_overlay_start_1:
0x0: {  	(tag) =	ssettag $0x1  }
0x1: {  	s0 =	srdreg.scid  }
0x2: {  	s5 =	sand.u32 $0x1, s0;
	s0 =	stileid.u32  }
0x3: {  	s6 =	sshll.u32 s0, $0x1;
	s7 =	ssub.s32 $0x0, s5  }
0x4: {  	p0 =	sne.s32 s6, s7  }
.Ltmp0:
0x5: {  	_ = 	snop;
	(pc) =	sbr.rel @p0 .LBB2_5-.Ltmp0, $4  }
0x6: {  	s1 =	rddreg [dreg:$0x0]  }
0x7: {  	s3 =	rddreg [dreg:$0x1]  }
0x8: {  	s4 =	rddreg [dreg:$0x2]  }
0x9: {  	s2 =	rddreg [dreg:$0x3];
	_ =	strace $0x80000047  }
0xa: {  	s5 =	ssub.s32 $0x2, s5  }
0xb: {  	s7 =	simm.s32 $0xE80;
	s6 =	sshrl.u32 s5, $0x1  }
0xc: {  	v0 =	vimm.f32 $0.0e+00;
	v1 =	vlaneseq.u32;
	s8 =	simm.s32 $0x1;
	s9 =	simm.s32 $0x1000;
	s5 =	ssub.s32 s5, s6  }
0xd: {  	s10 =	simm.s32 $0x0;
	v2 =	vor.u32 $0x10, v1;
	v3 =	vor.u32 $0x20, v1;
	v4 =	vor.u32 $0x30, v1;
	s6 =	simm.s32 $0x0;
	s5 =	smax.u32 s5, $0x1  }
.LBB2_2:
0xe: {  	[tilespmem:s7], [sflag:$0x1] =	stream.linear.gather [hbm4b:s1+s6], $0x180, $0x38;
	[tilespmem:$0x1180] =	vst v63  }
0xf: {  	_ =	swait.ge [sflag:s8], $0x180  }
0x10: {  	[sflag:s8] =	ssyncset.done $0x0  }
0x11: {  	[sflag:s8] =	ssyncadd.s32 $0xFFFFFE80  }
0x12: {  	[tilespmem:s9], [sflag:$0x1] =	stream.linear.gather [hbm4b:s3+s6], $0x180, $0x38;
	[tilespmem:$0x1180] =	vst v63  }
0x13: {  	_ =	swait.ge [sflag:s8], $0x180  }
0x14: {  	[sflag:s8] =	ssyncset.done $0x0  }
0x15: {  	s11 =	simm.s32 $0x20;
	[sflag:s8] =	ssyncadd.s32 $0xFFFFFE80  }
0x16: {  	[tilespmem:s11+$0xFFFFFFE0] =	vst v0  }
0x17: {  	[tilespmem:s11+$0x10] =	vst v0  }
0x18: {  	s12 =	simm.s32 $0x0;
	[tilespmem:s11+$0x0] =	vst v0  }
.LBB2_3:
0x19: {  	s12 =	sadd.s32 $0x4, s12  }
0x1a: {  	[tilespmem:s11+$0xFFFFFFF0] =	vst v0;
	s11 =	sadd.s32 $0x40, s11;
	p0 =	slt.u32 s12, $0xDC  }
.Ltmp1:
0x1b: {  	[tilespmem:s11+$0xFFFFFFE0] =	vst v0;
	(pc) =	sbr.rel @p0 .LBB2_3-.Ltmp1, $3  }
0x1c: {  	_ =	sdelay $0x1  }
0x1d: {  	[tilespmem:s11+$0x10] =	vst v0  }
0x1e: {  	[tilespmem:s11+$0x0] =	vst v0  }
0x1f: {  	[tilespmem:s11+$0xFFFFFFF0] =	vst v0  }
0x20: {  	v5 =	vld [tilespmem:$0xE80];
	_ =	sdelay $0x4  }
0x21: {  	v5 =	vmul.u32 $0x3C, v5;
	_ =	sdelay $0x1  }
0x22: {  	v6 =	vld [tilespmem:$0x1000];
	v5 =	vadd.s32 v1, v5;
	_ =	sdelay $0x3  }
0x23: {  	[tilespmem:$0xE00] =	vst v0  }
0x24: {  	[tilespmem:v5+s6+$0x0] =	vst.idx.msk $0xffff, v6  }
0x25: {  	v5 =	vld [tilespmem:$0xEC0];
	_ =	sdelay $0x4  }
0x26: {  	v5 =	vmul.u32 $0x3C, v5;
	_ =	sdelay $0x1  }
0x27: {  	v6 =	vld [tilespmem:$0x1040];
	v5 =	vadd.s32 v1, v5;
	_ =	sdelay $0x4  }
0x28: {  	[tilespmem:v5+s6+$0x0] =	vst.idx.msk $0xffff, v6  }
0x29: {  	v5 =	vld [tilespmem:$0xF00];
	_ =	sdelay $0x4  }
0x2a: {  	v5 =	vmul.u32 $0x3C, v5;
	_ =	sdelay $0x1  }
0x2b: {  	v6 =	vld [tilespmem:$0x1080];
	v5 =	vadd.s32 v1, v5;
	_ =	sdelay $0x4  }
0x2c: {  	[tilespmem:v5+s6+$0x0] =	vst.idx.msk $0xffff, v6  }
0x2d: {  	v5 =	vld [tilespmem:$0xF40];
	_ =	sdelay $0x4  }
0x2e: {  	v5 =	vmul.u32 $0x3C, v5;
	_ =	sdelay $0x1  }
0x2f: {  	v6 =	vld [tilespmem:$0x10C0];
	v5 =	vadd.s32 v1, v5;
	_ =	sdelay $0x4  }
0x30: {  	[tilespmem:v5+s6+$0x0] =	vst.idx.msk $0xffff, v6  }
0x31: {  	v5 =	vld [tilespmem:$0xF80];
	_ =	sdelay $0x4  }
0x32: {  	v5 =	vmul.u32 $0x3C, v5;
	_ =	sdelay $0x1  }
0x33: {  	v6 =	vld [tilespmem:$0x1100];
	v5 =	vadd.s32 v1, v5;
	_ =	sdelay $0x4  }
0x34: {  	[tilespmem:v5+s6+$0x0] =	vst.idx.msk $0xffff, v6  }
0x35: {  	v5 =	vld [tilespmem:$0xFC0];
	_ =	sdelay $0x4  }
0x36: {  	v5 =	vmul.u32 $0x3C, v5;
	_ =	sdelay $0x1  }
0x37: {  	v6 =	vld [tilespmem:$0x1140];
	v5 =	vadd.s32 v1, v5;
	_ =	sdelay $0x4  }
0x38: {  	[tilespmem:v5+s6+$0x0] =	vst.idx.msk $0xffff, v6  }
0x39: {  	v5 =	vld [tilespmem:$0xE90];
	_ =	sdelay $0x4  }
0x3a: {  	v5 =	vmul.u32 $0x3C, v5;
	_ =	sdelay $0x1  }
0x3b: {  	v6 =	vld [tilespmem:$0x1010];
	v5 =	vadd.s32 v2, v5;
	_ =	sdelay $0x4  }
0x3c: {  	[tilespmem:v5+s6+$0x0] =	vst.idx.msk $0xffff, v6  }
0x3d: {  	v5 =	vld [tilespmem:$0xED0];
	_ =	sdelay $0x4  }
0x3e: {  	v5 =	vmul.u32 $0x3C, v5;
	_ =	sdelay $0x1  }
0x3f: {  	v6 =	vld [tilespmem:$0x1050];
	v5 =	vadd.s32 v2, v5;
	_ =	sdelay $0x4  }
0x40: {  	[tilespmem:v5+s6+$0x0] =	vst.idx.msk $0xffff, v6  }
0x41: {  	v5 =	vld [tilespmem:$0xF10];
	_ =	sdelay $0x4  }
0x42: {  	v5 =	vmul.u32 $0x3C, v5;
	_ =	sdelay $0x1  }
0x43: {  	v6 =	vld [tilespmem:$0x1090];
	v5 =	vadd.s32 v2, v5;
	_ =	sdelay $0x4  }
0x44: {  	[tilespmem:v5+s6+$0x0] =	vst.idx.msk $0xffff, v6  }
0x45: {  	v5 =	vld [tilespmem:$0xF50];
	_ =	sdelay $0x4  }
0x46: {  	v5 =	vmul.u32 $0x3C, v5;
	_ =	sdelay $0x1  }
0x47: {  	v6 =	vld [tilespmem:$0x10D0];
	v5 =	vadd.s32 v2, v5;
	_ =	sdelay $0x4  }
0x48: {  	[tilespmem:v5+s6+$0x0] =	vst.idx.msk $0xffff, v6  }
0x49: {  	v5 =	vld [tilespmem:$0xF90];
	_ =	sdelay $0x4  }
0x4a: {  	v5 =	vmul.u32 $0x3C, v5;
	_ =	sdelay $0x1  }
0x4b: {  	v6 =	vld [tilespmem:$0x1110];
	v5 =	vadd.s32 v2, v5;
	_ =	sdelay $0x4  }
0x4c: {  	[tilespmem:v5+s6+$0x0] =	vst.idx.msk $0xffff, v6  }
0x4d: {  	v5 =	vld [tilespmem:$0xFD0];
	_ =	sdelay $0x4  }
0x4e: {  	v5 =	vmul.u32 $0x3C, v5;
	_ =	sdelay $0x1  }
0x4f: {  	v6 =	vld [tilespmem:$0x1150];
	v5 =	vadd.s32 v2, v5;
	_ =	sdelay $0x4  }
0x50: {  	[tilespmem:v5+s6+$0x0] =	vst.idx.msk $0xffff, v6  }
0x51: {  	v5 =	vld [tilespmem:$0xEA0];
	_ =	sdelay $0x4  }
0x52: {  	v5 =	vmul.u32 $0x3C, v5;
	_ =	sdelay $0x1  }
0x53: {  	v6 =	vld [tilespmem:$0x1020];
	v5 =	vadd.s32 v3, v5;
	_ =	sdelay $0x4  }
0x54: {  	[tilespmem:v5+s6+$0x0] =	vst.idx.msk $0xffff, v6  }
0x55: {  	v5 =	vld [tilespmem:$0xEE0];
	_ =	sdelay $0x4  }
0x56: {  	v5 =	vmul.u32 $0x3C, v5;
	_ =	sdelay $0x1  }
0x57: {  	v6 =	vld [tilespmem:$0x1060];
	v5 =	vadd.s32 v3, v5;
	_ =	sdelay $0x4  }
0x58: {  	[tilespmem:v5+s6+$0x0] =	vst.idx.msk $0xffff, v6  }
0x59: {  	v5 =	vld [tilespmem:$0xF20];
	_ =	sdelay $0x4  }
0x5a: {  	v5 =	vmul.u32 $0x3C, v5;
	_ =	sdelay $0x1  }
0x5b: {  	v6 =	vld [tilespmem:$0x10A0];
	v5 =	vadd.s32 v3, v5;
	_ =	sdelay $0x4  }
0x5c: {  	[tilespmem:v5+s6+$0x0] =	vst.idx.msk $0xffff, v6  }
0x5d: {  	v5 =	vld [tilespmem:$0xF60];
	_ =	sdelay $0x4  }
0x5e: {  	v5 =	vmul.u32 $0x3C, v5;
	_ =	sdelay $0x1  }
0x5f: {  	v6 =	vld [tilespmem:$0x10E0];
	v5 =	vadd.s32 v3, v5;
	_ =	sdelay $0x4  }
0x60: {  	[tilespmem:v5+s6+$0x0] =	vst.idx.msk $0xffff, v6  }
0x61: {  	v5 =	vld [tilespmem:$0xFA0];
	_ =	sdelay $0x4  }
0x62: {  	v5 =	vmul.u32 $0x3C, v5;
	_ =	sdelay $0x1  }
0x63: {  	v6 =	vld [tilespmem:$0x1120];
	v5 =	vadd.s32 v3, v5;
	_ =	sdelay $0x4  }
0x64: {  	[tilespmem:v5+s6+$0x0] =	vst.idx.msk $0xffff, v6  }
0x65: {  	v5 =	vld [tilespmem:$0xFE0];
	_ =	sdelay $0x4  }
0x66: {  	v5 =	vmul.u32 $0x3C, v5;
	_ =	sdelay $0x1  }
0x67: {  	v6 =	vld [tilespmem:$0x1160];
	v5 =	vadd.s32 v3, v5;
	_ =	sdelay $0x4  }
0x68: {  	[tilespmem:v5+s6+$0x0] =	vst.idx.msk $0xffff, v6  }
0x69: {  	v5 =	vld [tilespmem:$0xEB0];
	_ =	sdelay $0x4  }
0x6a: {  	v5 =	vmul.u32 $0x3C, v5;
	_ =	sdelay $0x1  }
0x6b: {  	v6 =	vld [tilespmem:$0x1030];
	v5 =	vadd.s32 v4, v5;
	_ =	sdelay $0x4  }
0x6c: {  	[tilespmem:v5+s6+$0x0] =	vst.idx.msk $0xfff, v6  }
0x6d: {  	v5 =	vld [tilespmem:$0xEF0];
	_ =	sdelay $0x4  }
0x6e: {  	v5 =	vmul.u32 $0x3C, v5;
	_ =	sdelay $0x1  }
0x6f: {  	v6 =	vld [tilespmem:$0x1070];
	v5 =	vadd.s32 v4, v5;
	_ =	sdelay $0x4  }
0x70: {  	[tilespmem:v5+s6+$0x0] =	vst.idx.msk $0xfff, v6  }
0x71: {  	v5 =	vld [tilespmem:$0xF30];
	_ =	sdelay $0x4  }
0x72: {  	v5 =	vmul.u32 $0x3C, v5;
	_ =	sdelay $0x1  }
0x73: {  	v6 =	vld [tilespmem:$0x10B0];
	v5 =	vadd.s32 v4, v5;
	_ =	sdelay $0x4  }
0x74: {  	[tilespmem:v5+s6+$0x0] =	vst.idx.msk $0xfff, v6  }
0x75: {  	v5 =	vld [tilespmem:$0xF70];
	_ =	sdelay $0x4  }
0x76: {  	v5 =	vmul.u32 $0x3C, v5;
	_ =	sdelay $0x1  }
0x77: {  	v6 =	vld [tilespmem:$0x10F0];
	v5 =	vadd.s32 v4, v5;
	_ =	sdelay $0x4  }
0x78: {  	[tilespmem:v5+s6+$0x0] =	vst.idx.msk $0xfff, v6  }
0x79: {  	v5 =	vld [tilespmem:$0xFB0];
	_ =	sdelay $0x4  }
0x7a: {  	v5 =	vmul.u32 $0x3C, v5;
	_ =	sdelay $0x1  }
0x7b: {  	v6 =	vld [tilespmem:$0x1130];
	v5 =	vadd.s32 v4, v5;
	_ =	sdelay $0x4  }
0x7c: {  	[tilespmem:v5+s6+$0x0] =	vst.idx.msk $0xfff, v6  }
0x7d: {  	v5 =	vld [tilespmem:$0xFF0];
	_ =	sdelay $0x4  }
0x7e: {  	v5 =	vmul.u32 $0x3C, v5;
	_ =	sdelay $0x1  }
0x7f: {  	v6 =	vld [tilespmem:$0x1170];
	v5 =	vadd.s32 v4, v5;
	_ =	sdelay $0x2  }
0x80: {  	s10 =	sadd.s32 $0x1, s10  }
0x81: {  	p0 =	sne.s32 s10, s5  }
.Ltmp2:
0x82: {  	[tilespmem:v5+s6+$0x0] =	vst.idx.msk $0xfff, v6;
	(pc) =	sbr.rel @p0 .LBB2_2-.Ltmp2, $4  }
0x83: {  	[hbm4b:s4+s6] =	stream.linear.scatter [tilespmem:s6], [sflag:$0x1], $0xE80, $0x38;
	[tilespmem:$0x1180] =	vst v63  }
0x84: {  	_ =	swait.ge [sflag:s8], $0xE80  }
0x85: {  	[sflag:s8] =	ssyncset.done $0x0  }
0x86: {  	[sflag:s8] =	ssyncadd.s32 $0xFFFFF180  }
.LBB2_5:
0x87: {  	_ =	sfence.sel $0x180000  }
0x88: {  	[bflag:$0x0] =	sbarrier.arrive $0xFFFF  }
0x89: {  	p0 =	sne.s32 s0, $0x0;
	_ =	strace $0x90000047  }
0x8a: {  	s0 =	sadd.s32 @!p0 $0x100000, s2;
	[bflag:$0x2] =	sbarrier.arrive $0xFFFF  }
0x8b: {  	[sflag:s0] =	ssyncadd.tile.s32 @!p0 $0x1;
	_ =	shalt  }
.Lfunc_end2:
_tile_overlayer_lowered:
.L_overlay_start_2:
0x8c: {  	(tag) =	ssettag $0x2  }
0x8d: {  	s0 =	rddreg [dreg:$0x0];
	s2 =	stileid.u32  }
0x8e: {  	s1 =	rddreg [dreg:$0x1];
	p0 =	sne.s32 s2, $0x0  }
0x8f: {  	s3 =	rddreg [dreg:$0x2];
	[bflag:$0x3] =	sbarrier.arrive $0xFFFF;
	s2 =	simm.s32 @!p0 $0x1C01  }
0x90: {  	[timem:s3], [sflag:s2] =	dma.local @!p0 [hbm:s0], s1  }
0x91: {  	s0 =	simm.s32 @!p0 $0x1  }
0x92: {  	_ =	swait.ge @!p0 [sflag:s0], s1  }
0x93: {  	s1 =	ssub.s32 @!p0 $0x0, s1;
	[sflag:s0] =	ssyncset.done @!p0 $0x0  }
0x94: {  	[sflag:s0] =	ssyncadd.s32 @!p0 s1  }
0x95: {  	[bflag:$0x3] =	sbarrier.arrive $0xFFFF  }
0x96: {  	_ =	shalt  }

// kernel: sparse-core-data-format-call.cloned.1.call-start
scs
called_computation_lowered:
.L_overlay_start_0:
0x0: {  	s2 =	sld [smem:$0x3FD9]  }
0x1: {  	s3 =	sld [smem:$0x3FFE];
	_ =	sdelay $0x1  }
0x2: {  	s1 =	srdreg.scid  }
0x3: {  	s0 =	sand.u32 $0x1, s1  }
0x4: {  	s15 =	sshll.u32 s0, $0xA;
	s2 =	sadd.s32 s3, s2  }
0x5: {  	s2 =	sadd.s32 s2, s15  }
0x6: {  	[smem:$0x3FC3] =	sst s2  }
0x7: {  	_ = 	snop  }
0x8: {  	s2 =	sld [smem:$0x3FD0];
	_ =	sdelay $0x2  }
0x9: {  	s16 =	simm.s32 $0xA;
	s4 =	simm.s32 $0x10  }
0xa: {  	[smem:s4], [sflag:s16] =	dma.local [hbm:s2], $0x1  }
0xb: {  	_ =	swait.eq [sflag:s16], $0x1  }
0xc: {  	[sflag:s16] =	ssyncset.done $0x0  }
0xd: {  	[sflag:s16] =	ssyncadd.s32 $0xFFFFFFFF  }
0xe: {  	s17 =	sld [smem:$0x11];
	(tm) =	ssettm $0x1  }
0xf: {  	s18 =	sld [smem:$0x3FFB];
	_ =	sdelay $0x3  }
0x10: {  	_ =	strace s18  }
0x11: {  	s3 =	sld [smem:$0x3FFC];
	_ =	sdelay $0x3  }
0x12: {  	_ =	strace s3  }
0x13: {  	s3 =	sld [smem:$0x3FFD];
	_ =	sdelay $0x3  }
0x14: {  	_ =	strace s3  }
0x15: {  	_ =	strace $0x8FFFFFFF  }
0x16: {  	s19 =	sld [smem:$0x3FDB];
	_ =	sdelay $0x1  }
0x17: {  	s20 =	simm.s32 $_scs_section_size  }
0x18: {  	s5 =	simm.s32 $_size__tile_overlayer_lowered;
	s6 =	simm.s32 $_tile_overlayer_lowered  }
0x19: {  	s23 =	simm.s32 $0x1BFF;
	s22 =	sshll.u32 s6, $0x1;
	s3 =	sadd.s32 s20, s19  }
0x1a: {  	s7 =	simm.s32 $0x0;
	s21 =	sshll.u32 s5, $0x1;
	s5 =	sadd.s32 s22, s3  }
0x1b: {  	[timem:s7], [sflag:s23] =	dma.local [hbm:s5], s21  }
0x1c: {  	_ =	swait.ge [sflag:s23], s21  }
0x1d: {  	s4 =	ssub.s32 $0x0, s21;
	[sflag:s23] =	ssyncset.done $0x0  }
0x1e: {  	[sflag:s23] =	ssyncadd.s32 s4;
	_ =	sdelay $0x1  }
0x1f: {  	s24 =	simm.s32 $0x1B8B  }
0x20: {  	_ =	swait.ge [sflag:s24], $0x1  }
0x21: {  	[sflag:s24] =	ssyncset.done $0x0  }
0x22: {  	s26 =	simm.s32 $0x1B8E;
	s25 =	sld [smem:$0x3FFE];
	[sflag:s24] =	ssyncadd.s32 $0xFFFFFFFF  }
0x23: {  	s27 =	simm.s32 $execute0_lowered;
	[smem:$0x3FD2] =	sst s26  }
0x24: {  	s5 =	sshll.u32 s27, $0x1;
	_ =	strace $0x80000049;
	[dreg:$0x1] =	wrdreg $0xFFFFFFFF  }
0x25: {  	s28 =	simm.s32 $_size_execute0_lowered;
	s3 =	sadd.s32 s3, s5;
	[dreg:$0x0] =	wrdreg $0x0  }
0x26: {  	s5 =	sshll.u32 s28, $0x1;
	[dreg:$0x2] =	wrdreg s3  }
0x27: {  	[dreg:$0x3] =	wrdreg s5  }
0x28: {  	[dreg:$0x4] =	wrdreg $0xC0  }
0x29: {  	_ =	task [dreg:s7], $0x5FFFF  }
0x2a: {  	[dreg:$0x1] =	wrdreg $0xFFFFFFFF  }
0x2b: {  	[dreg:$0x0] =	wrdreg $0x60  }
0x2c: {  	[dreg:$0x2] =	wrdreg s25  }
0x2d: {  	[dreg:$0x3] =	wrdreg s17  }
0x2e: {  	[dreg:$0x4] =	wrdreg $0x9  }
0x2f: {  	_ =	task.clear_ibuf [dreg:s7], $0x5FFFF;
	_ =	strace $0x90000049  }
0x30: {  	s29 =	simm.s32 $0x9;
	_ =	strace $0x8000004B  }
0x31: {  	_ =	swait.ge [sflag:s29], $0x1  }
0x32: {  	[sflag:s29] =	ssyncadd.s32 $0xFFFFFFFF  }
0x33: {  	_ =	strace $0x9000004B  }
0x34: {  	_ =	sfence  }
0x35: {  	s30 =	sld [smem:$0x0];
	_ =	sdelay $0x2  }
0x36: {  	s31 =	sshll.u32 s1, $0xD;
	s1 =	sshrl.u32 s1, $0x2  }
0x37: {  	s3 =	sand.u32 $0x4000, s31;
	s1 =	sadd.s32 s1, s30  }
0x38: {  	s0 =	sor.u32 s3, s0;
	s1 =	sshll.u32 s1, $0x11  }
0x39: {  	s0 =	sor.u32 s1, s0  }
0x3a: {  	s0 =	sadd.s32 $0x8F2B, s0  }
0x3b: {  	[sflag:s0] =	ssyncadd.remote.s32 $0x1  }
0x3c: {  	_ =	sfence.sel $0xFFFF  }
0x3d: {  	[dreg:$0x0] =	wrdreg $0xFFFFFFFF;
	(pc) =	sbr.abs _section_cstart, $3  }
0x3e: {  	[dreg:$0x1] =	wrdreg $0xFFFFFFFF  }
0x3f: {  	_ =	task.clear_ibuf [dreg:s7], $0x2FFFF;
	_ =	strace $0x9FFFFFFF  }
0x40: {  	(tm) =	ssettm $0x7FFFFFFF  }
0x41: {  	_ =	shalt  }
tec
execute0_lowered:
.L_overlay_start_1:
0x0: {  	(tag) =	ssettag $0x1  }
0x1: {  	s1 =	srdreg.scid;
	s8 =	rddreg [dreg:$0x0]  }
0x2: {  	s0 =	stileid.u32;
	s4 =	rddreg [dreg:$0x1]  }
0x3: {  	s31 =	simm.s32 $0x2;
	s18 =	simm.s32 $0x0;
	s10 =	simm.s32 $0x20000  }
0x4: {  	s19 =	simm.s32 $0x0;
	s20 =	simm.s32 $0x0;
	s1 =	sshll.u32 s1, $0x4  }
0x5: {  	s11 =	simm.s32 $0x0;
	s12 =	simm.s32 $0x0;
	s1 =	sor.u32 s0, s1  }
0x6: {  	s13 =	simm.s32 $0x0;
	s2 =	sand.u32 $0x1, s0;
	s1 =	sand.u32 $0x1E, s1  }
0x7: {  	s14 =	simm.s32 $0x0;
	s5 =	ssub.s32 $0x2, s2;
	s3 =	ssub.s32 $0x80, s1  }
0x8: {  	s17 =	simm.s32 $0x0;
	s7 =	sshrl.u32 s5, $0x1;
	s6 =	sand.u32 $0x1E, s3  }
0x9: {  	s5 =	sand.u32 $0x1, s5;
	p0 =	sne.s32 s6, $0x0;
	s6 =	simm.s32 $0x1  }
0xa: {  	s7 =	sadd.s32 s5, s7;
	s9 =	sshrl.u32 s3, $0x5;
	s6 =	simm.s32 @!p0 $0x0  }
.Ltmp0:
0xb: {  	s5 =	simm.s32 $0x1;
	s6 =	sadd.s32 s6, s9;
	(pc) =	sbr.rel .LBB1_1-.Ltmp0, $4  }
0xc: {  	s3 =	rddreg [dreg:$0x2];
	_ =	strace $0x8000004A;
	s7 =	smul.u32 s6, s7  }
0xd: {  	s16 =	smov.u32 s2;
	s15 =	smov.u32 s1;
	[sflag:s5] =	ssyncpa.u1 $0x0  }
0xe: {  	[sflag:s31] =	ssyncpa.u1 $0x0;
	p0 =	por $0x0, $0x0;
	s7 =	sshll.u32 s7, $0x3  }
0xf: {  	s6 =	sadd.s32 $0x400800, s8;
	s8 =	sadd.s32 $0x404800, s8;
	s9 =	sor.u32 $0x1, s7  }
.LBB1_7:
0x10: {  	p1 =	slt.u32 s17, $0x2  }
0x11: {  	s21 =	smov.u32 s20;
	p2 =	sgt.s32 @!p1 s20, $0x1;
	s22 =	sshra.s32 @!p1 s20, $0x1F  }
0x12: {  	s23 =	sshra.s32 @!p1 s19, $0x1F;
	p3 =	sgt.s32 @!p1 s18, $0x380;
	p2 =	por !p2, p1  }
0x13: {  	s20 =	sand.u32 @!p1 s22, s20;
	s21 =	simm.s32 @p2 $0x1;
	p2 =	sgt.s32 @!p1 s19, $0x7E  }
0x14: {  	s22 =	smov.u32 s19;
	s20 =	sxor.u32 @!p1 $0xFFFFFFFF, s20;
	p2 =	por !p2, p1  }
0x15: {  	s19 =	sand.u32 @!p1 s23, s19;
	s20 =	sadd.s32 @!p1 s20, s21;
	s22 =	simm.s32 @p2 $0x7E  }
0x16: {  	p3 =	por !p3, p1;
	p2 =	sgt.s32 @!p1 s20, $0x0;
	s19 =	ssub.s32 @!p1 s22, s19  }
0x17: {  	s20 =	ssub.s32 @!p1 $0x1, s20;
	s22 =	smov.u32 s18;
	s21 =	sadd.s32 @!p1 $0xFFFFFF82, s19  }
0x18: {  	s22 =	simm.s32 @p3 $0x380;
	p3 =	sgt.s32 @!p1 s21, $0x1;
	s21 =	sshra.s32 @!p1 s18, $0x1F  }
0x19: {  	s20 =	smul.u32 @!p1 $0x3C, s20;
	p2 =	por !p2, p1;
	s18 =	sand.u32 @!p1 s21, s18  }
0x1a: {  	s19 =	ssub.s32 @!p1 $0x80, s19;
	p3 =	por !p3, p1;
	s18 =	ssub.s32 @!p1 s22, s18  }
0x1b: {  	s20 =	simm.s32 @!p2 $0x0;
	s19 =	simm.s32 @!p3 $0x0;
	s21 =	sadd.s32 @!p1 $0xFFFFFC80, s18  }
0x1c: {  	s22 =	smov.u32 s15;
	s19 =	smul.u32 @!p1 s20, s19;
	p2 =	sgt.s32 @!p1 s21, $0x7F  }
0x1d: {  	s18 =	ssub.s32 @!p1 $0x400, s18;
	s21 =	sadd.s32 $0x80, s14;
	p2 =	por !p2, p1  }
0x1e: {  	s20 =	sadd.s32 $0x20, s15;
	s18 =	simm.s32 @!p2 $0x0;
	p2 =	sgt.s32 s21, $0x3FF  }
0x1f: {  	s23 =	smov.u32 s16;
	s22 =	smov.u32 @p2 s20  }
0x20: {  	s18 =	smul.u32 @!p1 s18, s19;
	s19 =	sadd.s32 $0x2, s16;
	p3 =	sgt.s32 s22, $0x7F  }
0x21: {  	p0 =	por !p0, !p0;
	s24 =	simm.s32 @!p1 $0x2;
	s23 =	smov.u32 @p3 s19  }
0x22: {  	s21 =	simm.s32 @p2 $0x0;
	s20 =	smov.u32 s13;
	p2 =	sgt.s32 s23, $0x1  }
0x23: {  	s13 =	smov.u32 s16;
	s23 =	smov.u32 @p2 s2;
	p2 =	sne.s32 s17, s9  }
.Ltmp1:
0x24: {  	s18 =	sand.u32 @!p1 $0x3FFFFFFC, s18;
	s22 =	smov.u32 @p3 s1;
	(pc) =	sbr.rel @!p2 .LBB1_8-.Ltmp1, $4  }
0x25: {  	s19 =	smov.u32 s12;
	s12 =	smov.u32 s15;
	_ =	swait.ge @!p1 [sflag:s24], s18  }
0x26: {  	s25 =	ssub.s32 @!p1 $0x0, s18;
	s18 =	smov.u32 s11;
	s11 =	smov.u32 s14  }
0x27: {  	s14 =	smov.u32 s21;
	s15 =	smov.u32 s22;
	[sflag:s24] =	ssyncset.done @!p1 $0x0  }
0x28: {  	s17 =	sadd.s32 $0x1, s17;
	[sflag:s24] =	ssyncadd.s32 @!p1 s25;
	s16 =	smov.u32 s23  }
.LBB1_1:
0x29: {  	p1 =	sge.u32 s17, s7  }
0x2a: {  	s21 =	sxor.u32 @!p1 $0xFFFFFFFF, s17;
	s22 =	sshll.u32 @!p1 s16, $0x15  }
0x2b: {  	s23 =	sshll.u32 @!p1 s15, $0xE;
	s25 =	sshll.u32 @!p1 s14, $0x4;
	s26 =	simm.s32 @!p1 $0x40  }
0x2c: {  	s27 =	simm.s32 @!p1 $0x80;
	s21 =	sshll.u32 @!p1 s21, $0xE;
	s24 =	sadd.s32 @!p1 s22, s23  }
0x2d: {  	s25 =	sand.u32 @!p1 $0x3FF0, s25;
	s22 =	sadd.s32 @!p1 s22, s8;
	s24 =	sadd.s32 @!p1 s6, s24  }
0x2e: {  	s21 =	sand.u32 @!p1 $0x4000, s21;
	s22 =	sadd.s32 @!p1 s23, s22;
	s24 =	sadd.s32 @!p1 s25, s24  }
0x2f: {  	[tilespmem:s21], [sflag:$0x1] =	stream.strided.gather @!p1 [hbm4b:s24+s26], $0x2000, s27, s26, $0x38;
	[tilespmem:$0x10100] =	vst v63  }
0x30: {  	s31 =	sadd.s32 $0xFFFFFFFF, s17;
	s22 =	sadd.s32 @!p1 s25, s22;
	s21 =	sor.u32 @!p1 $0x2000, s21  }
0x31: {  	[tilespmem:s21], [sflag:$0x1] =	stream.strided.gather @!p1 [hbm4b:s22+s26], $0x2000, s27, s26, $0x38;
	[tilespmem:$0x10100] =	vst v63  }
0x32: {  	p1 =	sge.u32 s31, s7  }
.Ltmp2:
0x33: {  	_ = 	snop;
	(pc) =	sbr.rel @p1 .LBB1_7-.Ltmp2, $1  }
0x34: {  	_ =	sdelay $0x3  }
0x35: {  	s21 =	simm.s32 $0x1;
	s23 =	sand.u32 $0x1, s17  }
0x36: {  	_ =	swait.ge [sflag:s5], $0x4000;
	s21 =	simm.s32 @!p0 $0x0;
	s23 =	smul.u32 $0x10200, s23  }
0x37: {  	p2 =	por $0x1, $0x1;
	[sflag:s5] =	ssyncset.done $0x0;
	s22 =	smul.u32 $0x10200, s21  }
0x38: {  	s24 =	sshll.u32 s21, $0x10;
	[sflag:s5] =	ssyncadd.s32 $0xFFFFC000;
	s30 =	sshrl.u32 s23, $0x2  }
0x39: {  	s31 =	sshrl.u32 s24, $0x2;
	s24 =	simm.s32 $0x0;
	s22 =	sshrl.u32 s22, $0x2  }
0x3a: {  	s21 =	sor.u32 $0x8000, s30;
	s23 =	sadd.s32 $0x20, s31;
	s22 =	sor.u32 $0x8000, s22  }
.LBB1_3:
0x3b: {  	s25 =	sshll.u32 s24, $0xD  }
0x3c: {  	s25 =	sand.u32 $0x3FFFE000, s25  }
0x3d: {  	s27 =	sadd.s32 s25, s23  }
0x3e: {  	s31 =	smul.u32 $0x204, s24;
	v3 =	vld [tilespmem:s27+$0x10]  }
0x3f: {  	v1 =	vld [tilespmem:s27+$0xFFFFFFF0]  }
0x40: {  	s24 =	sshra.s32 s31, $0x2;
	v0 =	vld [tilespmem:s27+$0x0]  }
0x41: {  	s24 =	sadd.s32 s24, s22;
	v2 =	vld [tilespmem:s27+$0xFFFFFFE0]  }
0x42: {  	s25 =	sadd.s32 $0x0, s24  }
0x43: {  	p1 =	por p2, p2;
	s26 =	simm.s32 $0x4;
	s27 =	sadd.s32 $0x40, s27;
	[tilespmem:s25+$0x3060 ss:$0x102] =	vst.msk $0xffff, v3  }
.LBB1_4:
0x44: {  	v3 =	vld [tilespmem:s27+$0x10];
	p2 =	sne.s32 s26, $0x1FC;
	[tilespmem:s25+$0x1020 ss:$0x102] =	vst.msk $0xffff, v1;
	s28 =	smov.u32 s26;
	s26 =	sadd.s32 $0x4, s26  }
.Ltmp3:
0x45: {  	v1 =	vld [tilespmem:s27+$0xFFFFFFF0];
	[tilespmem:s25+$0x2040 ss:$0x102] =	vst.msk $0xffff, v0;
	(pc) =	sbr.rel @p2 .LBB1_4-.Ltmp3, $4  }
0x46: {  	v0 =	vld [tilespmem:s27+$0x0];
	[tilespmem:s25+$0x0 ss:$0x102] =	vst.msk $0xffff, v2  }
0x47: {  	s25 =	sshra.s32 s28, $0x2;
	v2 =	vld [tilespmem:s27+$0xFFFFFFE0]  }
0x48: {  	s25 =	sadd.s32 s25, s24  }
0x49: {  	s27 =	sadd.s32 $0x40, s27;
	[tilespmem:s25+$0x3060 ss:$0x102] =	vst.msk $0xffff, v3  }
.Ltmp4:
0x4a: {  	(pc) =	sbr.rel @p1 .LBB1_3-.Ltmp4, $4  }
0x4b: {  	_ = 	snop  }
0x4c: {  	[tilespmem:s25+$0x1020 ss:$0x102] =	vst.msk $0xffff, v1  }
0x4d: {  	[tilespmem:s25+$0x2040 ss:$0x102] =	vst.msk $0xffff, v0  }
0x4e: {  	s24 =	simm.s32 $0x1;
	p2 =	por $0x0, $0x0;
	[tilespmem:s25+$0x0 ss:$0x102] =	vst.msk $0xffff, v2  }
0x4f: {  	s22 =	sshra.s32 s13, $0x1F;
	p1 =	sgt.s32 s13, $0x1  }
0x50: {  	s23 =	smov.u32 s13;
	s24 =	smov.u32 s12;
	s25 =	sshra.s32 s12, $0x1F  }
0x51: {  	s26 =	sshra.s32 s11, $0x1F;
	s28 =	sshll.u32 s12, $0x7;
	s22 =	sand.u32 s22, s13  }
0x52: {  	s23 =	simm.s32 @!p1 $0x1;
	p1 =	sgt.s32 s12, $0x7E;
	s22 =	sxor.u32 $0xFFFFFFFF, s22  }
0x53: {  	s30 =	sand.u32 s25, s12;
	s27 =	sand.u32 s26, s11;
	s22 =	sadd.s32 s22, s23  }
0x54: {  	s26 =	sand.u32 $0x78, s11;
	s24 =	simm.s32 @!p1 $0x7E;
	s23 =	ssub.s32 $0x1, s22  }
0x55: {  	p1 =	sgt.s32 s22, $0x0;
	s22 =	ssub.s32 s24, s30;
	s23 =	smul.u32 $0x3C, s23  }
0x56: {  	s24 =	smov.u32 s11;
	s30 =	sand.u32 $0x3C00, s28;
	s31 =	sadd.s32 $0xFFFFFF82, s22  }
0x57: {  	s22 =	ssub.s32 $0x80, s22;
	s23 =	simm.s32 @p1 $0x0;
	p1 =	sgt.s32 s11, $0x380  }
0x58: {  	s24 =	simm.s32 @!p1 $0x380;
	p1 =	sgt.s32 s31, $0x1;
	s31 =	smul.u32 $0xF0000, s13  }
0x59: {  	s22 =	simm.s32 @p1 $0x0;
	s24 =	ssub.s32 s24, s27;
	s27 =	sand.u32 $0x380, s28  }
0x5a: {  	s22 =	smul.u32 s23, s22;
	s29 =	sadd.s32 $0xFFFFFC80, s24;
	s23 =	ssub.s32 $0x400, s24  }
0x5b: {  	s26 =	sor.u32 s26, s27;
	s24 =	sadd.s32 s11, s30;
	p1 =	sgt.s32 s29, $0x7F  }
.Ltmp5:
0x5c: {  	s25 =	sadd.s32 s4, s31;
	s23 =	simm.s32 @p1 $0x0;
	(pc) =	sbr.rel .LBB1_7-.Ltmp5, $4  }
0x5d: {  	s28 =	sshrl.u32 s26, $0x3;
	s29 =	sand.u32 $0x7, s11;
	s22 =	smul.u32 s23, s22  }
0x5e: {  	s24 =	sand.u32 $0x3F80, s24;
	s30 =	sshll.u32 s29, $0x12;
	s23 =	sadd.s32 s28, s25  }
0x5f: {  	s31 =	sor.u32 $0x100, s30;
	s23 =	sadd.s32 s24, s23;
	s22 =	sand.u32 $0x3FFFFFFC, s22  }
0x60: {  	[hbm4b:s23+s31] =	stream.strided.scatter [tilespmem:s21], [sflag:$0x2], s22, s10, s31, $0x20;
	[tilespmem:$0x10100] =	vst v63  }
.LBB1_8:
0x61: {  	_ =	sfence.sel $0x180000  }
0x62: {  	s1 =	simm.s32 $0x1;
	[bflag:$0x0] =	sbarrier.arrive $0xFFFF  }
0x63: {  	s31 =	simm.s32 $0x2;
	[sflag:s1] =	ssyncpa.u1 $0x1  }
0x64: {  	[sflag:s31] =	ssyncpa.u1 $0x1  }
0x65: {  	p0 =	sne.s32 s0, $0x0;
	_ =	strace $0x9000004A  }
0x66: {  	s0 =	sadd.s32 @!p0 $0x100000, s3;
	[bflag:$0x2] =	sbarrier.arrive $0xFFFF  }
0x67: {  	[sflag:s0] =	ssyncadd.tile.s32 @!p0 $0x1;
	_ =	shalt  }
.Lfunc_end1:
_tile_overlayer_lowered:
.L_overlay_start_2:
0x68: {  	(tag) =	ssettag $0x2  }
0x69: {  	s0 =	rddreg [dreg:$0x0];
	s2 =	stileid.u32  }
0x6a: {  	s1 =	rddreg [dreg:$0x1];
	p0 =	sne.s32 s2, $0x0  }
0x6b: {  	s3 =	rddreg [dreg:$0x2];
	[bflag:$0x3] =	sbarrier.arrive $0xFFFF;
	s2 =	simm.s32 @!p0 $0x1C01  }
0x6c: {  	[timem:s3], [sflag:s2] =	dma.local @!p0 [hbm:s0], s1  }
0x6d: {  	s0 =	simm.s32 @!p0 $0x1  }
0x6e: {  	_ =	swait.ge @!p0 [sflag:s0], s1  }
0x6f: {  	s1 =	ssub.s32 @!p0 $0x0, s1;
	[sflag:s0] =	ssyncset.done @!p0 $0x0  }
0x70: {  	[sflag:s0] =	ssyncadd.s32 @!p0 s1  }
0x71: {  	[bflag:$0x3] =	sbarrier.arrive $0xFFFF  }
0x72: {  	_ =	shalt  }

</sc_bundles>
